<compile_context>
chip_gen: v7x
topology: tpu7x:2x2x1
jax: 0.10.2.dev20260603
libtpu: 0.0.44.dev20260713+nightly
codegen_flags: <defaults>
</compile_context>

<pallas_src>
import functools

import jax
import jax.numpy as jnp
from jax import lax
from jax.experimental import pallas as pl
from jax.experimental.pallas import tpu as pltpu
from jax.experimental.pallas import tpu_sc as plsc

N = 10000
E = 320000
D = 128
H = 64

_NC = 2
_NS = 16
_NW = _NC * _NS
_CPB = 128
_NCH = E // _CPB
_WCH = 80
_NR = 10016
_RPS = _NR // _NS
_TRS = N // _NS
_DW = 16


def _make_agg(with_deg):
    W = H
    mesh = plsc.VectorSubcoreMesh(core_axis_name="c", subcore_axis_name="s")
    out_type = [jax.ShapeDtypeStruct((_NC, _NR, W), jnp.float32)]
    scratch = [
        pltpu.VMEM((_WCH, _CPB), jnp.int32),
        pltpu.VMEM((_WCH, _CPB), jnp.int32),
        pltpu.VMEM((2 * _CPB, W), jnp.float32),
        pltpu.VMEM_SHARED((N, W), jnp.float32),
        pltpu.VMEM_SHARED((_NR, W), jnp.float32),
        pltpu.SemaphoreType.DMA,
        pltpu.SemaphoreType.DMA,
    ]
    if with_deg:
        out_type.append(jax.ShapeDtypeStruct((_NC, _NR, _DW), jnp.float32))
        scratch.append(pltpu.VMEM((_CPB, _DW), jnp.float32))
        scratch.append(pltpu.VMEM_SHARED((_NR, _DW), jnp.float32))

    @functools.partial(
        pl.kernel,
        mesh=mesh,
        compiler_params=pltpu.CompilerParams(use_tc_tiling_on_sc=False),
        out_type=tuple(out_type),
        scratch_types=scratch,
    )
    def agg(y_hbm, ei_hbm, p_hbm, *rest):
        if with_deg:
            pd_hbm, srcv, dstv, rows, ytab, acc, sem_g, sem_s, ones, dacc = rest
        else:
            srcv, dstv, rows, ytab, acc, sem_g, sem_s = rest
        c = lax.axis_index("c")
        s = lax.axis_index("s")
        wid = s * _NC + c

        pltpu.async_copy(y_hbm.at[pl.ds(s * _TRS, _TRS)],
                         ytab.at[pl.ds(s * _TRS, _TRS)], sem_g)

        base = wid * _WCH
        nch = jnp.minimum(_WCH, _NCH - base)
        base_l = jnp.minimum(base, _NCH - _WCH)
        off = base - base_l
        pltpu.async_copy(ei_hbm.at[0, pl.ds(base_l, _WCH)], srcv, sem_s)
        pltpu.async_copy(ei_hbm.at[1, pl.ds(base_l, _WCH)], dstv, sem_s)

        zeros16 = jnp.zeros((16,), jnp.float32)

        def zbody(r, carry):
            for k2 in range(W // 16):
                rows[r, pl.ds(k2 * 16, 16)] = zeros16
            return carry

        lax.fori_loop(0, _CPB, zbody, 0)
        full = _RPS // _CPB
        rem = _RPS - full * _CPB
        for t in range(full):
            pltpu.sync_copy(rows.at[pl.ds(0, _CPB)],
                            acc.at[pl.ds(s * _RPS + t * _CPB, _CPB)])
        if rem:
            pltpu.sync_copy(rows.at[pl.ds(0, rem)],
                            acc.at[pl.ds(s * _RPS + full * _CPB, rem)])

        if with_deg:
            def dbody(r, carry):
                ones[r, pl.ds(0, 16)] = zeros16
                return carry

            lax.fori_loop(0, _CPB, dbody, 0)
            for t in range(full):
                pltpu.sync_copy(ones.at[pl.ds(0, _CPB)],
                                dacc.at[pl.ds(s * _RPS + t * _CPB, _CPB)])
            if rem:
                pltpu.sync_copy(ones.at[pl.ds(0, rem)],
                                dacc.at[pl.ds(s * _RPS + full * _CPB, rem)])

            ones16 = jnp.full((16,), 1.0, jnp.float32)

            def obody(r, carry):
                ones[r, pl.ds(0, 16)] = ones16
                return carry

            lax.fori_loop(0, _CPB, obody, 0)

        pltpu.make_async_copy(y_hbm.at[pl.ds(s * _TRS, _TRS)],
                              ytab.at[pl.ds(s * _TRS, _TRS)], sem_g).wait()
        pltpu.make_async_copy(ei_hbm.at[0, pl.ds(base_l, _WCH)], srcv,
                              sem_s).wait()
        pltpu.make_async_copy(ei_hbm.at[1, pl.ds(base_l, _WCH)], dstv,
                              sem_s).wait()
        plsc.subcore_barrier()

        def buf(g):
            return rows.at[pl.ds((g % 2) * _CPB, _CPB)]

        def fire_gather(g):
            pltpu.async_copy(ytab.at[srcv.at[g + off]], buf(g), sem_g)

        def drain_gather(g):
            pltpu.make_async_copy(ytab.at[srcv.at[0]], buf(g), sem_g).wait()

        def fire_scatter(g):
            pltpu.async_copy(buf(g), acc.at[dstv.at[g + off]], sem_s,
                             add=True)
            if with_deg:
                pltpu.async_copy(ones, dacc.at[dstv.at[g + off]], sem_s,
                                 add=True)

        def drain_scatter(g):
            pltpu.make_async_copy(buf(g), acc.at[dstv.at[0]], sem_s).wait()
            if with_deg:
                pltpu.make_async_copy(ones, dacc.at[dstv.at[0]],
                                      sem_s).wait()

        fire_gather(0)

        def body(g, carry):
            drain_gather(g)

            @pl.when(g >= 1)
            def _():
                drain_scatter(g - 1)

            @pl.when(g + 1 < nch)
            def _():
                fire_gather(g + 1)

            fire_scatter(g)
            return carry

        lax.fori_loop(0, nch, body, 0)
        drain_scatter(nch - 1)

        plsc.subcore_barrier()
        pltpu.async_copy(acc.at[pl.ds(s * _RPS, _RPS)],
                         p_hbm.at[c, pl.ds(s * _RPS, _RPS)], sem_g)
        if with_deg:
            pltpu.async_copy(dacc.at[pl.ds(s * _RPS, _RPS)],
                             pd_hbm.at[c, pl.ds(s * _RPS, _RPS)], sem_s)
        pltpu.make_async_copy(acc.at[pl.ds(s * _RPS, _RPS)],
                              p_hbm.at[c, pl.ds(s * _RPS, _RPS)],
                              sem_g).wait()
        if with_deg:
            pltpu.make_async_copy(dacc.at[pl.ds(s * _RPS, _RPS)],
                                  pd_hbm.at[c, pl.ds(s * _RPS, _RPS)],
                                  sem_s).wait()

    return agg


_agg_l1 = _make_agg(True)
_agg_l2 = _make_agg(False)


_BLK = 2000


def _body_a(x_ref, wl_ref, y_ref):
    y_ref[...] = jnp.dot(x_ref[...], wl_ref[...],
                         preferred_element_type=jnp.float32)


def _body_c(p_ref, pd_ref, x_ref, wr1_ref, b1_ref, wl_ref, wr_ref, b_ref,
            y2_ref, z2_ref, inv_ref):
    ps = p_ref[0] + p_ref[1]
    degs = pd_ref[0] + pd_ref[1]
    deg = jnp.sum(degs, axis=1, keepdims=True) * (1.0 / _DW)
    inv = 1.0 / jnp.maximum(deg, 1.0)
    z1 = jnp.dot(x_ref[...], wr1_ref[...],
                 preferred_element_type=jnp.float32) + b1_ref[...]
    h = jnp.maximum(ps * inv + z1, 0.0)
    y2_ref[...] = jnp.dot(h, wl_ref[...], preferred_element_type=jnp.float32)
    z2_ref[...] = jnp.dot(h, wr_ref[...],
                          preferred_element_type=jnp.float32) + b_ref[...]
    inv_ref[...] = inv


def _body_d(p_ref, z_ref, inv_ref, wc_ref, bc_ref, o_ref):
    ps = p_ref[0] + p_ref[1]
    h = jnp.maximum(ps * inv_ref[...] + z_ref[...], 0.0)
    o_ref[...] = jnp.dot(h, wc_ref[...],
                         preferred_element_type=jnp.float32) + bc_ref[...]


def kernel(x, edge_index, Wl1, bl1, Wr1, Wl2, bl2, Wr2, Wc, bc):
    f32 = jnp.float32
    ei = edge_index.reshape(2, _NCH, _CPB)

    b1 = bl1.reshape(1, H)
    b2 = bl2.reshape(1, H)
    C = Wc.shape[1]
    bcr = bc.reshape(1, C)
    grid = (N // _BLK,)

    def _full(shape):
        return pl.BlockSpec(shape, lambda i: (0,) * len(shape))

    def _rows(shape):
        return pl.BlockSpec(shape, lambda i: (i,) + (0,) * (len(shape) - 1))

    def _prows(shape):
        return pl.BlockSpec(shape, lambda i: (0, i) + (0,) * (len(shape) - 2))

    y1 = pl.pallas_call(
        _body_a,
        grid=grid,
        in_specs=[_rows((_BLK, D)), _full((D, H))],
        out_specs=_rows((_BLK, H)),
        out_shape=jax.ShapeDtypeStruct((N, H), f32),
    )(x, Wl1)

    p1, pdeg = _agg_l1(y1, ei)

    y2, z2, inv = pl.pallas_call(
        _body_c,
        grid=grid,
        in_specs=[_prows((_NC, _BLK, H)), _prows((_NC, _BLK, _DW)),
                  _rows((_BLK, D)), _full((D, H)), _full((1, H)),
                  _full((H, H)), _full((H, H)), _full((1, H))],
        out_specs=(_rows((_BLK, H)), _rows((_BLK, H)), _rows((_BLK, 1))),
        out_shape=(jax.ShapeDtypeStruct((N, H), f32),
                   jax.ShapeDtypeStruct((N, H), f32),
                   jax.ShapeDtypeStruct((N, 1), f32)),
    )(p1, pdeg, x, Wr1, b1, Wl2, Wr2, b2)

    p2, = _agg_l2(y2, ei)

    out = pl.pallas_call(
        _body_d,
        grid=grid,
        in_specs=[_prows((_NC, _BLK, H)), _rows((_BLK, H)), _rows((_BLK, 1)),
                  _full((H, C)), _full((1, C))],
        out_specs=_rows((_BLK, C)),
        out_shape=jax.ShapeDtypeStruct((N, C), f32),
    )(p2, z2, inv, Wc, bcr)

    return out

# --- scband reference (transcript-rebuilt; emitter-appended) ---
"""Pipeline reference for scband-position-classifier-30081950941187 (READ-ONLY COPY).

The authoritative reference and input builder live on the scoring server;
editing this copy changes nothing except your own understanding.
"""

import jax, jax.numpy as jnp
import numpy as np

N = 10000
E = 320000
D = 128
H = 64
C = 3


def setup_inputs(seed: int = 0) -> dict:
    key = jax.random.key(seed)
    ks = jax.random.split(key, 12)
    x = jax.random.normal(ks[0], (N, D), dtype=jnp.float32)
    edge_index = jax.random.randint(ks[1], (2, E), 0, N, dtype=jnp.int32)
    s1 = 1.0 / np.sqrt(D)
    s2 = 1.0 / np.sqrt(H)
    Wl1 = jax.random.normal(ks[2], (D, H), dtype=jnp.float32) * s1
    bl1 = jnp.zeros((H,), dtype=jnp.float32)
    Wr1 = jax.random.normal(ks[3], (D, H), dtype=jnp.float32) * s1
    Wl2 = jax.random.normal(ks[4], (H, H), dtype=jnp.float32) * s2
    bl2 = jnp.zeros((H,), dtype=jnp.float32)
    Wr2 = jax.random.normal(ks[5], (H, H), dtype=jnp.float32) * s2
    Wc = jax.random.normal(ks[6], (H, C), dtype=jnp.float32) * s2
    bc = jnp.zeros((C,), dtype=jnp.float32)
    return {"x": x, "edge_index": edge_index, "Wl1": Wl1, "bl1": bl1, "Wr1": Wr1,
            "Wl2": Wl2, "bl2": bl2, "Wr2": Wr2, "Wc": Wc, "bc": bc}


def _sage_conv(x, edge_index, Wl, bl, Wr):
    # PyG SAGEConv (mean aggregation): out = lin_l(mean_{j in N(i)} x_j) + lin_r(x_i)
    src = edge_index[0]
    dst = edge_index[1]
    msg = jnp.take(x, src, axis=0)
    agg = jax.ops.segment_sum(msg, dst, num_segments=N)
    deg = jax.ops.segment_sum(jnp.ones((edge_index.shape[1],), dtype=x.dtype), dst, num_segments=N)
    mean = agg / jnp.clip(deg, 1.0)[:, None]
    return mean @ Wl + bl + x @ Wr


def reference(x, edge_index, Wl1, bl1, Wr1, Wl2, bl2, Wr2, Wc, bc):
    # dropout is identity in eval mode
    h = jax.nn.relu(_sage_conv(x, edge_index, Wl1, bl1, Wr1))
    h = jax.nn.relu(_sage_conv(h, edge_index, Wl2, bl2, Wr2))
    logits = h @ Wc + bc
    return logits

if __name__ == "__main__":
    import jax
    _d = setup_inputs()
    print(jax.jit(kernel)(*tuple(_d.values())))

</pallas_src>

<mosaic_0001>
#map = affine_map<(d0, d1) -> (0, 0)>
#map1 = affine_map<(d0, d1) -> (0, 0, 0)>
module attributes {stable_mosaic.version = 14 : i64} {
  func.func @agg(%arg0: i32, %arg1: i32, %arg2: memref<10000x64xf32, #tpu.memory_space<hbm>>, %arg3: memref<2x2500x128xi32, #tpu.memory_space<hbm>>, %arg4: memref<2x10016x64xf32, #tpu.memory_space<hbm>>, %arg5: memref<2x10016x16xf32, #tpu.memory_space<hbm>>, %arg6: memref<80x128xi32, #tpu.memory_space<vmem>>, %arg7: memref<80x128xi32, #tpu.memory_space<vmem>>, %arg8: memref<256x64xf32, #tpu.memory_space<vmem>>, %arg9: memref<10000x64xf32, #tpu.memory_space<vmem_shared>>, %arg10: memref<10016x64xf32, #tpu.memory_space<vmem_shared>>, %arg11: memref<!tpu.dma_semaphore, #tpu.memory_space<semaphore_mem>>, %arg12: memref<!tpu.dma_semaphore, #tpu.memory_space<semaphore_mem>>, %arg13: memref<128x16xf32, #tpu.memory_space<vmem>>, %arg14: memref<10016x16xf32, #tpu.memory_space<vmem_shared>>) attributes {dimension_semantics = [#tpu.dimension_semantics<core_parallel>, #tpu.dimension_semantics<subcore_parallel>], iteration_bounds = array<i64: 2, 16>, scalar_prefetch = 0 : i64, scratch_operands = 9 : i64, tpu.core_type = #tpu.core_type<sc_vector_subcore>, window_params = [{transform_indices = #map}, {transform_indices = #map1}, {transform_indices = #map1}, {transform_indices = #map1}]} {
    %mul3A = arith.constant 2 : i32
    %mul3A_0 = arith.muli %arg1, %mul3A : i32
    %add3A = arith.addi %mul3A_0, %arg0 : i32
    %mul3A_1 = arith.constant 625 : i32
    %mul3A_2 = arith.muli %arg1, %mul3A_1 : i32
    %mul3A_3 = arith.constant 625 : i32
    %mul3A_4 = arith.muli %arg1, %mul3A_3 : i32
    %dma_start3A = arith.constant 0 : i32
    %dma_start3A_5 = tpu.memref_slice %arg9[%mul3A_4, %dma_start3A] : memref<10000x64xf32, #tpu.memory_space<vmem_shared>> -> memref<625x64xf32, #tpu.memory_space<vmem_shared>>
    %dma_start3A_6 = arith.constant 0 : i32
    %dma_start3A_7 = tpu.memref_slice %arg2[%mul3A_2, %dma_start3A_6] : memref<10000x64xf32, #tpu.memory_space<hbm>> -> memref<625x64xf32, #tpu.memory_space<hbm>>
    tpu.enqueue_dma source(%dma_start3A_7 : memref<625x64xf32, #tpu.memory_space<hbm>>) target(%dma_start3A_5 : memref<625x64xf32, #tpu.memory_space<vmem_shared>>) target_semaphore(%arg11 : memref<!tpu.dma_semaphore, #tpu.memory_space<semaphore_mem>>)
    %mul3A_8 = arith.constant 80 : i32
    %mul3A_9 = arith.muli %add3A, %mul3A_8 : i32
    %sub3A = arith.constant 2500 : i32
    %sub3A_10 = arith.subi %sub3A, %mul3A_9 : i32
    %min3A = arith.constant 80 : i32
    %min3A_11 = arith.minsi %min3A, %sub3A_10 : i32
    %min3A_12 = arith.constant 2420 : i32
    %min3A_13 = arith.minsi %mul3A_9, %min3A_12 : i32
    %sub3A_14 = arith.subi %mul3A_9, %min3A_13 : i32
    %dma_start3A_15 = arith.constant 0 : i32
    %dma_start3A_16 = arith.constant 0 : i32
    %dma_start3A_17 = tpu.memref_slice %arg3[%dma_start3A_15, %min3A_13, %dma_start3A_16] : memref<2x2500x128xi32, #tpu.memory_space<hbm>> -> memref<1x80x128xi32, #tpu.memory_space<hbm>>
    %dma_start3A_18 = tpu.memref_squeeze %dma_start3A_17 : memref<1x80x128xi32, #tpu.memory_space<hbm>> -> memref<80x128xi32, #tpu.memory_space<hbm>>
    %dma_start3A_19 = arith.constant 0 : i32
    %dma_start3A_20 = tpu.memref_slice %arg3[%dma_start3A_15, %min3A_13, %dma_start3A_19] : memref<2x2500x128xi32, #tpu.memory_space<hbm>> -> memref<1x80x128xi32, #tpu.memory_space<hbm>>
    %dma_start3A_21 = tpu.memref_squeeze %dma_start3A_20 : memref<1x80x128xi32, #tpu.memory_space<hbm>> -> memref<80x128xi32, #tpu.memory_space<hbm>>
    tpu.enqueue_dma source(%dma_start3A_21 : memref<80x128xi32, #tpu.memory_space<hbm>>) target(%arg6 : memref<80x128xi32, #tpu.memory_space<vmem>>) target_semaphore(%arg12 : memref<!tpu.dma_semaphore, #tpu.memory_space<semaphore_mem>>)
    %dma_start3A_22 = arith.constant 1 : i32
    %dma_start3A_23 = arith.constant 0 : i32
    %dma_start3A_24 = tpu.memref_slice %arg3[%dma_start3A_22, %min3A_13, %dma_start3A_23] : memref<2x2500x128xi32, #tpu.memory_space<hbm>> -> memref<1x80x128xi32, #tpu.memory_space<hbm>>
    %dma_start3A_25 = tpu.memref_squeeze %dma_start3A_24 : memref<1x80x128xi32, #tpu.memory_space<hbm>> -> memref<80x128xi32, #tpu.memory_space<hbm>>
    %dma_start3A_26 = arith.constant 0 : i32
    %dma_start3A_27 = tpu.memref_slice %arg3[%dma_start3A_22, %min3A_13, %dma_start3A_26] : memref<2x2500x128xi32, #tpu.memory_space<hbm>> -> memref<1x80x128xi32, #tpu.memory_space<hbm>>
    %dma_start3A_28 = tpu.memref_squeeze %dma_start3A_27 : memref<1x80x128xi32, #tpu.memory_space<hbm>> -> memref<80x128xi32, #tpu.memory_space<hbm>>
    tpu.enqueue_dma source(%dma_start3A_28 : memref<80x128xi32, #tpu.memory_space<hbm>>) target(%arg7 : memref<80x128xi32, #tpu.memory_space<vmem>>) target_semaphore(%arg12 : memref<!tpu.dma_semaphore, #tpu.memory_space<semaphore_mem>>)
    %broadcast_in_dim3A = arith.constant 0.000000e+00 : f32
    %broadcast_in_dim3A_29 = vector.broadcast %broadcast_in_dim3A : f32 to vector<16xf32>
    %scan3A = arith.constant 0 : i32
    %scan3A_30 = arith.constant 0 : i32
    %scan3A_31 = arith.constant 128 : i32
    %scan3A_32 = arith.addi %scan3A_30, %scan3A_31 : i32
    %scan3A_33 = arith.constant 1 : i32
    scf.for %scan3A_196 = %scan3A_30 to %scan3A_32 step %scan3A_33  : i32 {
      %swap3A = arith.index_cast %scan3A_196 : i32 to index
      %swap3A_197 = arith.constant 0 : index
      %swap3A_198 = tpu.vector_load %arg8[%swap3A, %swap3A_197] {strides = array<i32>} : memref<256x64xf32, #tpu.memory_space<vmem>>, vector<1x16xf32>,
      %swap3A_199 = vector.shape_cast %swap3A_198 : vector<1x16xf32> to vector<16xf32>
      %swap3A_200 = vector.shape_cast %broadcast_in_dim3A_29 : vector<16xf32> to vector<1x16xf32>
      tpu.vector_store %arg8[%swap3A, %swap3A_197], %swap3A_200 {strides = array<i32>} : memref<256x64xf32, #tpu.memory_space<vmem>>, vector<1x16xf32>,
      %swap3A_201 = arith.index_cast %scan3A_196 : i32 to index
      %swap3A_202 = arith.constant 16 : index
      %swap3A_203 = tpu.vector_load %arg8[%swap3A_201, %swap3A_202] {strides = array<i32>} : memref<256x64xf32, #tpu.memory_space<vmem>>, vector<1x16xf32>,
      %swap3A_204 = vector.shape_cast %swap3A_203 : vector<1x16xf32> to vector<16xf32>
      %swap3A_205 = vector.shape_cast %broadcast_in_dim3A_29 : vector<16xf32> to vector<1x16xf32>
      tpu.vector_store %arg8[%swap3A_201, %swap3A_202], %swap3A_205 {strides = array<i32>} : memref<256x64xf32, #tpu.memory_space<vmem>>, vector<1x16xf32>,
      %swap3A_206 = arith.index_cast %scan3A_196 : i32 to index
      %swap3A_207 = arith.constant 32 : index
      %swap3A_208 = tpu.vector_load %arg8[%swap3A_206, %swap3A_207] {strides = array<i32>} : memref<256x64xf32, #tpu.memory_space<vmem>>, vector<1x16xf32>,
      %swap3A_209 = vector.shape_cast %swap3A_208 : vector<1x16xf32> to vector<16xf32>
      %swap3A_210 = vector.shape_cast %broadcast_in_dim3A_29 : vector<16xf32> to vector<1x16xf32>
      tpu.vector_store %arg8[%swap3A_206, %swap3A_207], %swap3A_210 {strides = array<i32>} : memref<256x64xf32, #tpu.memory_space<vmem>>, vector<1x16xf32>,
      %swap3A_211 = arith.index_cast %scan3A_196 : i32 to index
      %swap3A_212 = arith.constant 48 : index
      %swap3A_213 = tpu.vector_load %arg8[%swap3A_211, %swap3A_212] {strides = array<i32>} : memref<256x64xf32, #tpu.memory_space<vmem>>, vector<1x16xf32>,
      %swap3A_214 = vector.shape_cast %swap3A_213 : vector<1x16xf32> to vector<16xf32>
      %swap3A_215 = vector.shape_cast %broadcast_in_dim3A_29 : vector<16xf32> to vector<1x16xf32>
      tpu.vector_store %arg8[%swap3A_211, %swap3A_212], %swap3A_215 {strides = array<i32>} : memref<256x64xf32, #tpu.memory_space<vmem>>, vector<1x16xf32>,
    }
    %scan3A_34 = arith.constant 128 : i32
    %mul3A_35 = arith.constant 626 : i32
    %mul3A_36 = arith.muli %arg1, %mul3A_35 : i32
    %add3A_37 = arith.constant 0 : i32
    %add3A_38 = arith.addi %mul3A_36, %add3A_37 : i32
    "tpu.region"() ({
      %run_scoped3A = tpu.sem_alloc : memref<!tpu.dma_semaphore, #tpu.memory_space<semaphore_mem>>
      %dma_start3A_196 = arith.constant 0 : i32
      %dma_start3A_197 = arith.constant 0 : i32
      %dma_start3A_198 = tpu.memref_slice %arg8[%dma_start3A_196, %dma_start3A_197] : memref<256x64xf32, #tpu.memory_space<vmem>> -> memref<128x64xf32, #tpu.memory_space<vmem>>
      %dma_start3A_199 = arith.constant 0 : i32
      %dma_start3A_200 = tpu.memref_slice %arg10[%add3A_38, %dma_start3A_199] : memref<10016x64xf32, #tpu.memory_space<vmem_shared>> -> memref<128x64xf32, #tpu.memory_space<vmem_shared>>
      %dma_start3A_201 = arith.constant 0 : i32
      %dma_start3A_202 = tpu.memref_slice %arg10[%add3A_38, %dma_start3A_201] : memref<10016x64xf32, #tpu.memory_space<vmem_shared>> -> memref<128x64xf32, #tpu.memory_space<vmem_shared>>
      %dma_start3A_203 = arith.constant 0 : i32
      %dma_start3A_204 = arith.constant 0 : i32
      %dma_start3A_205 = tpu.memref_slice %arg8[%dma_start3A_203, %dma_start3A_204] : memref<256x64xf32, #tpu.memory_space<vmem>> -> memref<128x64xf32, #tpu.memory_space<vmem>>
      tpu.enqueue_dma source(%dma_start3A_205 : memref<128x64xf32, #tpu.memory_space<vmem>>) target(%dma_start3A_202 : memref<128x64xf32, #tpu.memory_space<vmem_shared>>) target_semaphore(%run_scoped3A : memref<!tpu.dma_semaphore, #tpu.memory_space<semaphore_mem>>)
      %dma_wait3A_206 = arith.constant 0 : i32
      %dma_wait3A_207 = arith.constant 0 : i32
      %dma_wait3A_208 = tpu.memref_slice %arg8[%dma_wait3A_206, %dma_wait3A_207] : memref<256x64xf32, #tpu.memory_space<vmem>> -> memref<128x64xf32, #tpu.memory_space<vmem>>
      %dma_wait3A_209 = arith.constant 0 : i32
      %dma_wait3A_210 = tpu.memref_slice %arg10[%add3A_38, %dma_wait3A_209] : memref<10016x64xf32, #tpu.memory_space<vmem_shared>> -> memref<128x64xf32, #tpu.memory_space<vmem_shared>>
      %dma_wait3A_211 = arith.constant 0 : i32
      %dma_wait3A_212 = tpu.memref_slice %arg10[%add3A_38, %dma_wait3A_211] : memref<10016x64xf32, #tpu.memory_space<vmem_shared>> -> memref<128x64xf32, #tpu.memory_space<vmem_shared>>
      %dma_wait3A_213 = arith.constant 0 : i32
      %dma_wait3A_214 = arith.constant 0 : i32
      %dma_wait3A_215 = tpu.memref_slice %arg8[%dma_wait3A_213, %dma_wait3A_214] : memref<256x64xf32, #tpu.memory_space<vmem>> -> memref<128x64xf32, #tpu.memory_space<vmem>>
      tpu.wait_dma2 semaphore(%run_scoped3A : memref<!tpu.dma_semaphore, #tpu.memory_space<semaphore_mem>>) src(%dma_wait3A_215 : memref<128x64xf32, #tpu.memory_space<vmem>>) dst(%dma_wait3A_212 : memref<128x64xf32, #tpu.memory_space<vmem_shared>>)
      tpu.yield
    }) : () -> ()
    %mul3A_39 = arith.constant 626 : i32
    %mul3A_40 = arith.muli %arg1, %mul3A_39 : i32
    %add3A_41 = arith.constant 128 : i32
    %add3A_42 = arith.addi %mul3A_40, %add3A_41 : i32
    "tpu.region"() ({
      %run_scoped3A = tpu.sem_alloc : memref<!tpu.dma_semaphore, #tpu.memory_space<semaphore_mem>>
      %dma_start3A_196 = arith.constant 0 : i32
      %dma_start3A_197 = arith.constant 0 : i32
      %dma_start3A_198 = tpu.memref_slice %arg8[%dma_start3A_196, %dma_start3A_197] : memref<256x64xf32, #tpu.memory_space<vmem>> -> memref<128x64xf32, #tpu.memory_space<vmem>>
      %dma_start3A_199 = arith.constant 0 : i32
      %dma_start3A_200 = tpu.memref_slice %arg10[%add3A_42, %dma_start3A_199] : memref<10016x64xf32, #tpu.memory_space<vmem_shared>> -> memref<128x64xf32, #tpu.memory_space<vmem_shared>>
      %dma_start3A_201 = arith.constant 0 : i32
      %dma_start3A_202 = tpu.memref_slice %arg10[%add3A_42, %dma_start3A_201] : memref<10016x64xf32, #tpu.memory_space<vmem_shared>> -> memref<128x64xf32, #tpu.memory_space<vmem_shared>>
      %dma_start3A_203 = arith.constant 0 : i32
      %dma_start3A_204 = arith.constant 0 : i32
      %dma_start3A_205 = tpu.memref_slice %arg8[%dma_start3A_203, %dma_start3A_204] : memref<256x64xf32, #tpu.memory_space<vmem>> -> memref<128x64xf32, #tpu.memory_space<vmem>>
      tpu.enqueue_dma source(%dma_start3A_205 : memref<128x64xf32, #tpu.memory_space<vmem>>) target(%dma_start3A_202 : memref<128x64xf32, #tpu.memory_space<vmem_shared>>) target_semaphore(%run_scoped3A : memref<!tpu.dma_semaphore, #tpu.memory_space<semaphore_mem>>)
      %dma_wait3A_206 = arith.constant 0 : i32
      %dma_wait3A_207 = arith.constant 0 : i32
      %dma_wait3A_208 = tpu.memref_slice %arg8[%dma_wait3A_206, %dma_wait3A_207] : memref<256x64xf32, #tpu.memory_space<vmem>> -> memref<128x64xf32, #tpu.memory_space<vmem>>
      %dma_wait3A_209 = arith.constant 0 : i32
      %dma_wait3A_210 = tpu.memref_slice %arg10[%add3A_42, %dma_wait3A_209] : memref<10016x64xf32, #tpu.memory_space<vmem_shared>> -> memref<128x64xf32, #tpu.memory_space<vmem_shared>>
      %dma_wait3A_211 = arith.constant 0 : i32
      %dma_wait3A_212 = tpu.memref_slice %arg10[%add3A_42, %dma_wait3A_211] : memref<10016x64xf32, #tpu.memory_space<vmem_shared>> -> memref<128x64xf32, #tpu.memory_space<vmem_shared>>
      %dma_wait3A_213 = arith.constant 0 : i32
      %dma_wait3A_214 = arith.constant 0 : i32
      %dma_wait3A_215 = tpu.memref_slice %arg8[%dma_wait3A_213, %dma_wait3A_214] : memref<256x64xf32, #tpu.memory_space<vmem>> -> memref<128x64xf32, #tpu.memory_space<vmem>>
      tpu.wait_dma2 semaphore(%run_scoped3A : memref<!tpu.dma_semaphore, #tpu.memory_space<semaphore_mem>>) src(%dma_wait3A_215 : memref<128x64xf32, #tpu.memory_space<vmem>>) dst(%dma_wait3A_212 : memref<128x64xf32, #tpu.memory_space<vmem_shared>>)
      tpu.yield
    }) : () -> ()
    %mul3A_43 = arith.constant 626 : i32
    %mul3A_44 = arith.muli %arg1, %mul3A_43 : i32
    %add3A_45 = arith.constant 256 : i32
    %add3A_46 = arith.addi %mul3A_44, %add3A_45 : i32
    "tpu.region"() ({
      %run_scoped3A = tpu.sem_alloc : memref<!tpu.dma_semaphore, #tpu.memory_space<semaphore_mem>>
      %dma_start3A_196 = arith.constant 0 : i32
      %dma_start3A_197 = arith.constant 0 : i32
      %dma_start3A_198 = tpu.memref_slice %arg8[%dma_start3A_196, %dma_start3A_197] : memref<256x64xf32, #tpu.memory_space<vmem>> -> memref<128x64xf32, #tpu.memory_space<vmem>>
      %dma_start3A_199 = arith.constant 0 : i32
      %dma_start3A_200 = tpu.memref_slice %arg10[%add3A_46, %dma_start3A_199] : memref<10016x64xf32, #tpu.memory_space<vmem_shared>> -> memref<128x64xf32, #tpu.memory_space<vmem_shared>>
      %dma_start3A_201 = arith.constant 0 : i32
      %dma_start3A_202 = tpu.memref_slice %arg10[%add3A_46, %dma_start3A_201] : memref<10016x64xf32, #tpu.memory_space<vmem_shared>> -> memref<128x64xf32, #tpu.memory_space<vmem_shared>>
      %dma_start3A_203 = arith.constant 0 : i32
      %dma_start3A_204 = arith.constant 0 : i32
      %dma_start3A_205 = tpu.memref_slice %arg8[%dma_start3A_203, %dma_start3A_204] : memref<256x64xf32, #tpu.memory_space<vmem>> -> memref<128x64xf32, #tpu.memory_space<vmem>>
      tpu.enqueue_dma source(%dma_start3A_205 : memref<128x64xf32, #tpu.memory_space<vmem>>) target(%dma_start3A_202 : memref<128x64xf32, #tpu.memory_space<vmem_shared>>) target_semaphore(%run_scoped3A : memref<!tpu.dma_semaphore, #tpu.memory_space<semaphore_mem>>)
      %dma_wait3A_206 = arith.constant 0 : i32
      %dma_wait3A_207 = arith.constant 0 : i32
      %dma_wait3A_208 = tpu.memref_slice %arg8[%dma_wait3A_206, %dma_wait3A_207] : memref<256x64xf32, #tpu.memory_space<vmem>> -> memref<128x64xf32, #tpu.memory_space<vmem>>
      %dma_wait3A_209 = arith.constant 0 : i32
      %dma_wait3A_210 = tpu.memref_slice %arg10[%add3A_46, %dma_wait3A_209] : memref<10016x64xf32, #tpu.memory_space<vmem_shared>> -> memref<128x64xf32, #tpu.memory_space<vmem_shared>>
      %dma_wait3A_211 = arith.constant 0 : i32
      %dma_wait3A_212 = tpu.memref_slice %arg10[%add3A_46, %dma_wait3A_211] : memref<10016x64xf32, #tpu.memory_space<vmem_shared>> -> memref<128x64xf32, #tpu.memory_space<vmem_shared>>
      %dma_wait3A_213 = arith.constant 0 : i32
      %dma_wait3A_214 = arith.constant 0 : i32
      %dma_wait3A_215 = tpu.memref_slice %arg8[%dma_wait3A_213, %dma_wait3A_214] : memref<256x64xf32, #tpu.memory_space<vmem>> -> memref<128x64xf32, #tpu.memory_space<vmem>>
      tpu.wait_dma2 semaphore(%run_scoped3A : memref<!tpu.dma_semaphore, #tpu.memory_space<semaphore_mem>>) src(%dma_wait3A_215 : memref<128x64xf32, #tpu.memory_space<vmem>>) dst(%dma_wait3A_212 : memref<128x64xf32, #tpu.memory_space<vmem_shared>>)
      tpu.yield
    }) : () -> ()
    %mul3A_47 = arith.constant 626 : i32
    %mul3A_48 = arith.muli %arg1, %mul3A_47 : i32
    %add3A_49 = arith.constant 384 : i32
    %add3A_50 = arith.addi %mul3A_48, %add3A_49 : i32
    "tpu.region"() ({
      %run_scoped3A = tpu.sem_alloc : memref<!tpu.dma_semaphore, #tpu.memory_space<semaphore_mem>>
      %dma_start3A_196 = arith.constant 0 : i32
      %dma_start3A_197 = arith.constant 0 : i32
      %dma_start3A_198 = tpu.memref_slice %arg8[%dma_start3A_196, %dma_start3A_197] : memref<256x64xf32, #tpu.memory_space<vmem>> -> memref<128x64xf32, #tpu.memory_space<vmem>>
      %dma_start3A_199 = arith.constant 0 : i32
      %dma_start3A_200 = tpu.memref_slice %arg10[%add3A_50, %dma_start3A_199] : memref<10016x64xf32, #tpu.memory_space<vmem_shared>> -> memref<128x64xf32, #tpu.memory_space<vmem_shared>>
      %dma_start3A_201 = arith.constant 0 : i32
      %dma_start3A_202 = tpu.memref_slice %arg10[%add3A_50, %dma_start3A_201] : memref<10016x64xf32, #tpu.memory_space<vmem_shared>> -> memref<128x64xf32, #tpu.memory_space<vmem_shared>>
      %dma_start3A_203 = arith.constant 0 : i32
      %dma_start3A_204 = arith.constant 0 : i32
      %dma_start3A_205 = tpu.memref_slice %arg8[%dma_start3A_203, %dma_start3A_204] : memref<256x64xf32, #tpu.memory_space<vmem>> -> memref<128x64xf32, #tpu.memory_space<vmem>>
      tpu.enqueue_dma source(%dma_start3A_205 : memref<128x64xf32, #tpu.memory_space<vmem>>) target(%dma_start3A_202 : memref<128x64xf32, #tpu.memory_space<vmem_shared>>) target_semaphore(%run_scoped3A : memref<!tpu.dma_semaphore, #tpu.memory_space<semaphore_mem>>)
      %dma_wait3A_206 = arith.constant 0 : i32
      %dma_wait3A_207 = arith.constant 0 : i32
      %dma_wait3A_208 = tpu.memref_slice %arg8[%dma_wait3A_206, %dma_wait3A_207] : memref<256x64xf32, #tpu.memory_space<vmem>> -> memref<128x64xf32, #tpu.memory_space<vmem>>
      %dma_wait3A_209 = arith.constant 0 : i32
      %dma_wait3A_210 = tpu.memref_slice %arg10[%add3A_50, %dma_wait3A_209] : memref<10016x64xf32, #tpu.memory_space<vmem_shared>> -> memref<128x64xf32, #tpu.memory_space<vmem_shared>>
      %dma_wait3A_211 = arith.constant 0 : i32
      %dma_wait3A_212 = tpu.memref_slice %arg10[%add3A_50, %dma_wait3A_211] : memref<10016x64xf32, #tpu.memory_space<vmem_shared>> -> memref<128x64xf32, #tpu.memory_space<vmem_shared>>
      %dma_wait3A_213 = arith.constant 0 : i32
      %dma_wait3A_214 = arith.constant 0 : i32
      %dma_wait3A_215 = tpu.memref_slice %arg8[%dma_wait3A_213, %dma_wait3A_214] : memref<256x64xf32, #tpu.memory_space<vmem>> -> memref<128x64xf32, #tpu.memory_space<vmem>>
      tpu.wait_dma2 semaphore(%run_scoped3A : memref<!tpu.dma_semaphore, #tpu.memory_space<semaphore_mem>>) src(%dma_wait3A_215 : memref<128x64xf32, #tpu.memory_space<vmem>>) dst(%dma_wait3A_212 : memref<128x64xf32, #tpu.memory_space<vmem_shared>>)
      tpu.yield
    }) : () -> ()
    %mul3A_51 = arith.constant 626 : i32
    %mul3A_52 = arith.muli %arg1, %mul3A_51 : i32
    %add3A_53 = arith.constant 512 : i32
    %add3A_54 = arith.addi %mul3A_52, %add3A_53 : i32
    "tpu.region"() ({
      %run_scoped3A = tpu.sem_alloc : memref<!tpu.dma_semaphore, #tpu.memory_space<semaphore_mem>>
      %dma_start3A_196 = arith.constant 0 : i32
      %dma_start3A_197 = arith.constant 0 : i32
      %dma_start3A_198 = tpu.memref_slice %arg8[%dma_start3A_196, %dma_start3A_197] : memref<256x64xf32, #tpu.memory_space<vmem>> -> memref<114x64xf32, #tpu.memory_space<vmem>>
      %dma_start3A_199 = arith.constant 0 : i32
      %dma_start3A_200 = tpu.memref_slice %arg10[%add3A_54, %dma_start3A_199] : memref<10016x64xf32, #tpu.memory_space<vmem_shared>> -> memref<114x64xf32, #tpu.memory_space<vmem_shared>>
      %dma_start3A_201 = arith.constant 0 : i32
      %dma_start3A_202 = tpu.memref_slice %arg10[%add3A_54, %dma_start3A_201] : memref<10016x64xf32, #tpu.memory_space<vmem_shared>> -> memref<114x64xf32, #tpu.memory_space<vmem_shared>>
      %dma_start3A_203 = arith.constant 0 : i32
      %dma_start3A_204 = arith.constant 0 : i32
      %dma_start3A_205 = tpu.memref_slice %arg8[%dma_start3A_203, %dma_start3A_204] : memref<256x64xf32, #tpu.memory_space<vmem>> -> memref<114x64xf32, #tpu.memory_space<vmem>>
      tpu.enqueue_dma source(%dma_start3A_205 : memref<114x64xf32, #tpu.memory_space<vmem>>) target(%dma_start3A_202 : memref<114x64xf32, #tpu.memory_space<vmem_shared>>) target_semaphore(%run_scoped3A : memref<!tpu.dma_semaphore, #tpu.memory_space<semaphore_mem>>)
      %dma_wait3A_206 = arith.constant 0 : i32
      %dma_wait3A_207 = arith.constant 0 : i32
      %dma_wait3A_208 = tpu.memref_slice %arg8[%dma_wait3A_206, %dma_wait3A_207] : memref<256x64xf32, #tpu.memory_space<vmem>> -> memref<114x64xf32, #tpu.memory_space<vmem>>
      %dma_wait3A_209 = arith.constant 0 : i32
      %dma_wait3A_210 = tpu.memref_slice %arg10[%add3A_54, %dma_wait3A_209] : memref<10016x64xf32, #tpu.memory_space<vmem_shared>> -> memref<114x64xf32, #tpu.memory_space<vmem_shared>>
      %dma_wait3A_211 = arith.constant 0 : i32
      %dma_wait3A_212 = tpu.memref_slice %arg10[%add3A_54, %dma_wait3A_211] : memref<10016x64xf32, #tpu.memory_space<vmem_shared>> -> memref<114x64xf32, #tpu.memory_space<vmem_shared>>
      %dma_wait3A_213 = arith.constant 0 : i32
      %dma_wait3A_214 = arith.constant 0 : i32
      %dma_wait3A_215 = tpu.memref_slice %arg8[%dma_wait3A_213, %dma_wait3A_214] : memref<256x64xf32, #tpu.memory_space<vmem>> -> memref<114x64xf32, #tpu.memory_space<vmem>>
      tpu.wait_dma2 semaphore(%run_scoped3A : memref<!tpu.dma_semaphore, #tpu.memory_space<semaphore_mem>>) src(%dma_wait3A_215 : memref<114x64xf32, #tpu.memory_space<vmem>>) dst(%dma_wait3A_212 : memref<114x64xf32, #tpu.memory_space<vmem_shared>>)
      tpu.yield
    }) : () -> ()
    %scan3A_55 = arith.constant 0 : i32
    %scan3A_56 = arith.constant 0 : i32
    %scan3A_57 = arith.constant 128 : i32
    %scan3A_58 = arith.addi %scan3A_56, %scan3A_57 : i32
    %scan3A_59 = arith.constant 1 : i32
    scf.for %scan3A_196 = %scan3A_56 to %scan3A_58 step %scan3A_59  : i32 {
      %swap3A = arith.index_cast %scan3A_196 : i32 to index
      %swap3A_197 = arith.constant 0 : index
      %swap3A_198 = tpu.vector_load %arg13[%swap3A, %swap3A_197] {strides = array<i32>} : memref<128x16xf32, #tpu.memory_space<vmem>>, vector<1x16xf32>,
      %swap3A_199 = vector.shape_cast %swap3A_198 : vector<1x16xf32> to vector<16xf32>
      %swap3A_200 = vector.shape_cast %broadcast_in_dim3A_29 : vector<16xf32> to vector<1x16xf32>
      tpu.vector_store %arg13[%swap3A, %swap3A_197], %swap3A_200 {strides = array<i32>} : memref<128x16xf32, #tpu.memory_space<vmem>>, vector<1x16xf32>,
    }
    %scan3A_60 = arith.constant 128 : i32
    %mul3A_61 = arith.constant 626 : i32
    %mul3A_62 = arith.muli %arg1, %mul3A_61 : i32
    %add3A_63 = arith.constant 0 : i32
    %add3A_64 = arith.addi %mul3A_62, %add3A_63 : i32
    "tpu.region"() ({
      %run_scoped3A = tpu.sem_alloc : memref<!tpu.dma_semaphore, #tpu.memory_space<semaphore_mem>>
      %dma_start3A_196 = arith.constant 0 : i32
      %dma_start3A_197 = arith.constant 0 : i32
      %dma_start3A_198 = tpu.memref_slice %arg13[%dma_start3A_196, %dma_start3A_197] : memref<128x16xf32, #tpu.memory_space<vmem>> -> memref<128x16xf32, #tpu.memory_space<vmem>>
      %dma_start3A_199 = arith.constant 0 : i32
      %dma_start3A_200 = tpu.memref_slice %arg14[%add3A_64, %dma_start3A_199] : memref<10016x16xf32, #tpu.memory_space<vmem_shared>> -> memref<128x16xf32, #tpu.memory_space<vmem_shared>>
      %dma_start3A_201 = arith.constant 0 : i32
      %dma_start3A_202 = tpu.memref_slice %arg14[%add3A_64, %dma_start3A_201] : memref<10016x16xf32, #tpu.memory_space<vmem_shared>> -> memref<128x16xf32, #tpu.memory_space<vmem_shared>>
      %dma_start3A_203 = arith.constant 0 : i32
      %dma_start3A_204 = arith.constant 0 : i32
      %dma_start3A_205 = tpu.memref_slice %arg13[%dma_start3A_203, %dma_start3A_204] : memref<128x16xf32, #tpu.memory_space<vmem>> -> memref<128x16xf32, #tpu.memory_space<vmem>>
      tpu.enqueue_dma source(%dma_start3A_205 : memref<128x16xf32, #tpu.memory_space<vmem>>) target(%dma_start3A_202 : memref<128x16xf32, #tpu.memory_space<vmem_shared>>) target_semaphore(%run_scoped3A : memref<!tpu.dma_semaphore, #tpu.memory_space<semaphore_mem>>)
      %dma_wait3A_206 = arith.constant 0 : i32
      %dma_wait3A_207 = arith.constant 0 : i32
      %dma_wait3A_208 = tpu.memref_slice %arg13[%dma_wait3A_206, %dma_wait3A_207] : memref<128x16xf32, #tpu.memory_space<vmem>> -> memref<128x16xf32, #tpu.memory_space<vmem>>
      %dma_wait3A_209 = arith.constant 0 : i32
      %dma_wait3A_210 = tpu.memref_slice %arg14[%add3A_64, %dma_wait3A_209] : memref<10016x16xf32, #tpu.memory_space<vmem_shared>> -> memref<128x16xf32, #tpu.memory_space<vmem_shared>>
      %dma_wait3A_211 = arith.constant 0 : i32
      %dma_wait3A_212 = tpu.memref_slice %arg14[%add3A_64, %dma_wait3A_211] : memref<10016x16xf32, #tpu.memory_space<vmem_shared>> -> memref<128x16xf32, #tpu.memory_space<vmem_shared>>
      %dma_wait3A_213 = arith.constant 0 : i32
      %dma_wait3A_214 = arith.constant 0 : i32
      %dma_wait3A_215 = tpu.memref_slice %arg13[%dma_wait3A_213, %dma_wait3A_214] : memref<128x16xf32, #tpu.memory_space<vmem>> -> memref<128x16xf32, #tpu.memory_space<vmem>>
      tpu.wait_dma2 semaphore(%run_scoped3A : memref<!tpu.dma_semaphore, #tpu.memory_space<semaphore_mem>>) src(%dma_wait3A_215 : memref<128x16xf32, #tpu.memory_space<vmem>>) dst(%dma_wait3A_212 : memref<128x16xf32, #tpu.memory_space<vmem_shared>>)
      tpu.yield
    }) : () -> ()
    %mul3A_65 = arith.constant 626 : i32
    %mul3A_66 = arith.muli %arg1, %mul3A_65 : i32
    %add3A_67 = arith.constant 128 : i32
    %add3A_68 = arith.addi %mul3A_66, %add3A_67 : i32
    "tpu.region"() ({
      %run_scoped3A = tpu.sem_alloc : memref<!tpu.dma_semaphore, #tpu.memory_space<semaphore_mem>>
      %dma_start3A_196 = arith.constant 0 : i32
      %dma_start3A_197 = arith.constant 0 : i32
      %dma_start3A_198 = tpu.memref_slice %arg13[%dma_start3A_196, %dma_start3A_197] : memref<128x16xf32, #tpu.memory_space<vmem>> -> memref<128x16xf32, #tpu.memory_space<vmem>>
      %dma_start3A_199 = arith.constant 0 : i32
      %dma_start3A_200 = tpu.memref_slice %arg14[%add3A_68, %dma_start3A_199] : memref<10016x16xf32, #tpu.memory_space<vmem_shared>> -> memref<128x16xf32, #tpu.memory_space<vmem_shared>>
      %dma_start3A_201 = arith.constant 0 : i32
      %dma_start3A_202 = tpu.memref_slice %arg14[%add3A_68, %dma_start3A_201] : memref<10016x16xf32, #tpu.memory_space<vmem_shared>> -> memref<128x16xf32, #tpu.memory_space<vmem_shared>>
      %dma_start3A_203 = arith.constant 0 : i32
      %dma_start3A_204 = arith.constant 0 : i32
      %dma_start3A_205 = tpu.memref_slice %arg13[%dma_start3A_203, %dma_start3A_204] : memref<128x16xf32, #tpu.memory_space<vmem>> -> memref<128x16xf32, #tpu.memory_space<vmem>>
      tpu.enqueue_dma source(%dma_start3A_205 : memref<128x16xf32, #tpu.memory_space<vmem>>) target(%dma_start3A_202 : memref<128x16xf32, #tpu.memory_space<vmem_shared>>) target_semaphore(%run_scoped3A : memref<!tpu.dma_semaphore, #tpu.memory_space<semaphore_mem>>)
      %dma_wait3A_206 = arith.constant 0 : i32
      %dma_wait3A_207 = arith.constant 0 : i32
      %dma_wait3A_208 = tpu.memref_slice %arg13[%dma_wait3A_206, %dma_wait3A_207] : memref<128x16xf32, #tpu.memory_space<vmem>> -> memref<128x16xf32, #tpu.memory_space<vmem>>
      %dma_wait3A_209 = arith.constant 0 : i32
      %dma_wait3A_210 = tpu.memref_slice %arg14[%add3A_68, %dma_wait3A_209] : memref<10016x16xf32, #tpu.memory_space<vmem_shared>> -> memref<128x16xf32, #tpu.memory_space<vmem_shared>>
      %dma_wait3A_211 = arith.constant 0 : i32
      %dma_wait3A_212 = tpu.memref_slice %arg14[%add3A_68, %dma_wait3A_211] : memref<10016x16xf32, #tpu.memory_space<vmem_shared>> -> memref<128x16xf32, #tpu.memory_space<vmem_shared>>
      %dma_wait3A_213 = arith.constant 0 : i32
      %dma_wait3A_214 = arith.constant 0 : i32
      %dma_wait3A_215 = tpu.memref_slice %arg13[%dma_wait3A_213, %dma_wait3A_214] : memref<128x16xf32, #tpu.memory_space<vmem>> -> memref<128x16xf32, #tpu.memory_space<vmem>>
      tpu.wait_dma2 semaphore(%run_scoped3A : memref<!tpu.dma_semaphore, #tpu.memory_space<semaphore_mem>>) src(%dma_wait3A_215 : memref<128x16xf32, #tpu.memory_space<vmem>>) dst(%dma_wait3A_212 : memref<128x16xf32, #tpu.memory_space<vmem_shared>>)
      tpu.yield
    }) : () -> ()
    %mul3A_69 = arith.constant 626 : i32
    %mul3A_70 = arith.muli %arg1, %mul3A_69 : i32
    %add3A_71 = arith.constant 256 : i32
    %add3A_72 = arith.addi %mul3A_70, %add3A_71 : i32
    "tpu.region"() ({
      %run_scoped3A = tpu.sem_alloc : memref<!tpu.dma_semaphore, #tpu.memory_space<semaphore_mem>>
      %dma_start3A_196 = arith.constant 0 : i32
      %dma_start3A_197 = arith.constant 0 : i32
      %dma_start3A_198 = tpu.memref_slice %arg13[%dma_start3A_196, %dma_start3A_197] : memref<128x16xf32, #tpu.memory_space<vmem>> -> memref<128x16xf32, #tpu.memory_space<vmem>>
      %dma_start3A_199 = arith.constant 0 : i32
      %dma_start3A_200 = tpu.memref_slice %arg14[%add3A_72, %dma_start3A_199] : memref<10016x16xf32, #tpu.memory_space<vmem_shared>> -> memref<128x16xf32, #tpu.memory_space<vmem_shared>>
      %dma_start3A_201 = arith.constant 0 : i32
      %dma_start3A_202 = tpu.memref_slice %arg14[%add3A_72, %dma_start3A_201] : memref<10016x16xf32, #tpu.memory_space<vmem_shared>> -> memref<128x16xf32, #tpu.memory_space<vmem_shared>>
      %dma_start3A_203 = arith.constant 0 : i32
      %dma_start3A_204 = arith.constant 0 : i32
      %dma_start3A_205 = tpu.memref_slice %arg13[%dma_start3A_203, %dma_start3A_204] : memref<128x16xf32, #tpu.memory_space<vmem>> -> memref<128x16xf32, #tpu.memory_space<vmem>>
      tpu.enqueue_dma source(%dma_start3A_205 : memref<128x16xf32, #tpu.memory_space<vmem>>) target(%dma_start3A_202 : memref<128x16xf32, #tpu.memory_space<vmem_shared>>) target_semaphore(%run_scoped3A : memref<!tpu.dma_semaphore, #tpu.memory_space<semaphore_mem>>)
      %dma_wait3A_206 = arith.constant 0 : i32
      %dma_wait3A_207 = arith.constant 0 : i32
      %dma_wait3A_208 = tpu.memref_slice %arg13[%dma_wait3A_206, %dma_wait3A_207] : memref<128x16xf32, #tpu.memory_space<vmem>> -> memref<128x16xf32, #tpu.memory_space<vmem>>
      %dma_wait3A_209 = arith.constant 0 : i32
      %dma_wait3A_210 = tpu.memref_slice %arg14[%add3A_72, %dma_wait3A_209] : memref<10016x16xf32, #tpu.memory_space<vmem_shared>> -> memref<128x16xf32, #tpu.memory_space<vmem_shared>>
      %dma_wait3A_211 = arith.constant 0 : i32
      %dma_wait3A_212 = tpu.memref_slice %arg14[%add3A_72, %dma_wait3A_211] : memref<10016x16xf32, #tpu.memory_space<vmem_shared>> -> memref<128x16xf32, #tpu.memory_space<vmem_shared>>
      %dma_wait3A_213 = arith.constant 0 : i32
      %dma_wait3A_214 = arith.constant 0 : i32
      %dma_wait3A_215 = tpu.memref_slice %arg13[%dma_wait3A_213, %dma_wait3A_214] : memref<128x16xf32, #tpu.memory_space<vmem>> -> memref<128x16xf32, #tpu.memory_space<vmem>>
      tpu.wait_dma2 semaphore(%run_scoped3A : memref<!tpu.dma_semaphore, #tpu.memory_space<semaphore_mem>>) src(%dma_wait3A_215 : memref<128x16xf32, #tpu.memory_space<vmem>>) dst(%dma_wait3A_212 : memref<128x16xf32, #tpu.memory_space<vmem_shared>>)
      tpu.yield
    }) : () -> ()
    %mul3A_73 = arith.constant 626 : i32
    %mul3A_74 = arith.muli %arg1, %mul3A_73 : i32
    %add3A_75 = arith.constant 384 : i32
    %add3A_76 = arith.addi %mul3A_74, %add3A_75 : i32
    "tpu.region"() ({
      %run_scoped3A = tpu.sem_alloc : memref<!tpu.dma_semaphore, #tpu.memory_space<semaphore_mem>>
      %dma_start3A_196 = arith.constant 0 : i32
      %dma_start3A_197 = arith.constant 0 : i32
      %dma_start3A_198 = tpu.memref_slice %arg13[%dma_start3A_196, %dma_start3A_197] : memref<128x16xf32, #tpu.memory_space<vmem>> -> memref<128x16xf32, #tpu.memory_space<vmem>>
      %dma_start3A_199 = arith.constant 0 : i32
      %dma_start3A_200 = tpu.memref_slice %arg14[%add3A_76, %dma_start3A_199] : memref<10016x16xf32, #tpu.memory_space<vmem_shared>> -> memref<128x16xf32, #tpu.memory_space<vmem_shared>>
      %dma_start3A_201 = arith.constant 0 : i32
      %dma_start3A_202 = tpu.memref_slice %arg14[%add3A_76, %dma_start3A_201] : memref<10016x16xf32, #tpu.memory_space<vmem_shared>> -> memref<128x16xf32, #tpu.memory_space<vmem_shared>>
      %dma_start3A_203 = arith.constant 0 : i32
      %dma_start3A_204 = arith.constant 0 : i32
      %dma_start3A_205 = tpu.memref_slice %arg13[%dma_start3A_203, %dma_start3A_204] : memref<128x16xf32, #tpu.memory_space<vmem>> -> memref<128x16xf32, #tpu.memory_space<vmem>>
      tpu.enqueue_dma source(%dma_start3A_205 : memref<128x16xf32, #tpu.memory_space<vmem>>) target(%dma_start3A_202 : memref<128x16xf32, #tpu.memory_space<vmem_shared>>) target_semaphore(%run_scoped3A : memref<!tpu.dma_semaphore, #tpu.memory_space<semaphore_mem>>)
      %dma_wait3A_206 = arith.constant 0 : i32
      %dma_wait3A_207 = arith.constant 0 : i32
      %dma_wait3A_208 = tpu.memref_slice %arg13[%dma_wait3A_206, %dma_wait3A_207] : memref<128x16xf32, #tpu.memory_space<vmem>> -> memref<128x16xf32, #tpu.memory_space<vmem>>
      %dma_wait3A_209 = arith.constant 0 : i32
      %dma_wait3A_210 = tpu.memref_slice %arg14[%add3A_76, %dma_wait3A_209] : memref<10016x16xf32, #tpu.memory_space<vmem_shared>> -> memref<128x16xf32, #tpu.memory_space<vmem_shared>>
      %dma_wait3A_211 = arith.constant 0 : i32
      %dma_wait3A_212 = tpu.memref_slice %arg14[%add3A_76, %dma_wait3A_211] : memref<10016x16xf32, #tpu.memory_space<vmem_shared>> -> memref<128x16xf32, #tpu.memory_space<vmem_shared>>
      %dma_wait3A_213 = arith.constant 0 : i32
      %dma_wait3A_214 = arith.constant 0 : i32
      %dma_wait3A_215 = tpu.memref_slice %arg13[%dma_wait3A_213, %dma_wait3A_214] : memref<128x16xf32, #tpu.memory_space<vmem>> -> memref<128x16xf32, #tpu.memory_space<vmem>>
      tpu.wait_dma2 semaphore(%run_scoped3A : memref<!tpu.dma_semaphore, #tpu.memory_space<semaphore_mem>>) src(%dma_wait3A_215 : memref<128x16xf32, #tpu.memory_space<vmem>>) dst(%dma_wait3A_212 : memref<128x16xf32, #tpu.memory_space<vmem_shared>>)
      tpu.yield
    }) : () -> ()
    %mul3A_77 = arith.constant 626 : i32
    %mul3A_78 = arith.muli %arg1, %mul3A_77 : i32
    %add3A_79 = arith.constant 512 : i32
    %add3A_80 = arith.addi %mul3A_78, %add3A_79 : i32
    "tpu.region"() ({
      %run_scoped3A = tpu.sem_alloc : memref<!tpu.dma_semaphore, #tpu.memory_space<semaphore_mem>>
      %dma_start3A_196 = arith.constant 0 : i32
      %dma_start3A_197 = arith.constant 0 : i32
      %dma_start3A_198 = tpu.memref_slice %arg13[%dma_start3A_196, %dma_start3A_197] : memref<128x16xf32, #tpu.memory_space<vmem>> -> memref<114x16xf32, #tpu.memory_space<vmem>>
      %dma_start3A_199 = arith.constant 0 : i32
      %dma_start3A_200 = tpu.memref_slice %arg14[%add3A_80, %dma_start3A_199] : memref<10016x16xf32, #tpu.memory_space<vmem_shared>> -> memref<114x16xf32, #tpu.memory_space<vmem_shared>>
      %dma_start3A_201 = arith.constant 0 : i32
      %dma_start3A_202 = tpu.memref_slice %arg14[%add3A_80, %dma_start3A_201] : memref<10016x16xf32, #tpu.memory_space<vmem_shared>> -> memref<114x16xf32, #tpu.memory_space<vmem_shared>>
      %dma_start3A_203 = arith.constant 0 : i32
      %dma_start3A_204 = arith.constant 0 : i32
      %dma_start3A_205 = tpu.memref_slice %arg13[%dma_start3A_203, %dma_start3A_204] : memref<128x16xf32, #tpu.memory_space<vmem>> -> memref<114x16xf32, #tpu.memory_space<vmem>>
      tpu.enqueue_dma source(%dma_start3A_205 : memref<114x16xf32, #tpu.memory_space<vmem>>) target(%dma_start3A_202 : memref<114x16xf32, #tpu.memory_space<vmem_shared>>) target_semaphore(%run_scoped3A : memref<!tpu.dma_semaphore, #tpu.memory_space<semaphore_mem>>)
      %dma_wait3A_206 = arith.constant 0 : i32
      %dma_wait3A_207 = arith.constant 0 : i32
      %dma_wait3A_208 = tpu.memref_slice %arg13[%dma_wait3A_206, %dma_wait3A_207] : memref<128x16xf32, #tpu.memory_space<vmem>> -> memref<114x16xf32, #tpu.memory_space<vmem>>
      %dma_wait3A_209 = arith.constant 0 : i32
      %dma_wait3A_210 = tpu.memref_slice %arg14[%add3A_80, %dma_wait3A_209] : memref<10016x16xf32, #tpu.memory_space<vmem_shared>> -> memref<114x16xf32, #tpu.memory_space<vmem_shared>>
      %dma_wait3A_211 = arith.constant 0 : i32
      %dma_wait3A_212 = tpu.memref_slice %arg14[%add3A_80, %dma_wait3A_211] : memref<10016x16xf32, #tpu.memory_space<vmem_shared>> -> memref<114x16xf32, #tpu.memory_space<vmem_shared>>
      %dma_wait3A_213 = arith.constant 0 : i32
      %dma_wait3A_214 = arith.constant 0 : i32
      %dma_wait3A_215 = tpu.memref_slice %arg13[%dma_wait3A_213, %dma_wait3A_214] : memref<128x16xf32, #tpu.memory_space<vmem>> -> memref<114x16xf32, #tpu.memory_space<vmem>>
      tpu.wait_dma2 semaphore(%run_scoped3A : memref<!tpu.dma_semaphore, #tpu.memory_space<semaphore_mem>>) src(%dma_wait3A_215 : memref<114x16xf32, #tpu.memory_space<vmem>>) dst(%dma_wait3A_212 : memref<114x16xf32, #tpu.memory_space<vmem_shared>>)
      tpu.yield
    }) : () -> ()
    %broadcast_in_dim3A_81 = arith.constant 1.000000e+00 : f32
    %broadcast_in_dim3A_82 = vector.broadcast %broadcast_in_dim3A_81 : f32 to vector<16xf32>
    %scan3A_83 = arith.constant 0 : i32
    %scan3A_84 = arith.constant 0 : i32
    %scan3A_85 = arith.constant 128 : i32
    %scan3A_86 = arith.addi %scan3A_84, %scan3A_85 : i32
    %scan3A_87 = arith.constant 1 : i32
    scf.for %scan3A_196 = %scan3A_84 to %scan3A_86 step %scan3A_87  : i32 {
      %swap3A = arith.index_cast %scan3A_196 : i32 to index
      %swap3A_197 = arith.constant 0 : index
      %swap3A_198 = tpu.vector_load %arg13[%swap3A, %swap3A_197] {strides = array<i32>} : memref<128x16xf32, #tpu.memory_space<vmem>>, vector<1x16xf32>,
      %swap3A_199 = vector.shape_cast %swap3A_198 : vector<1x16xf32> to vector<16xf32>
      %swap3A_200 = vector.shape_cast %broadcast_in_dim3A_82 : vector<16xf32> to vector<1x16xf32>
      tpu.vector_store %arg13[%swap3A, %swap3A_197], %swap3A_200 {strides = array<i32>} : memref<128x16xf32, #tpu.memory_space<vmem>>, vector<1x16xf32>,
    }
    %scan3A_88 = arith.constant 128 : i32
    %mul3A_89 = arith.constant 625 : i32
    %mul3A_90 = arith.muli %arg1, %mul3A_89 : i32
    %mul3A_91 = arith.constant 625 : i32
    %mul3A_92 = arith.muli %arg1, %mul3A_91 : i32
    %dma_wait3A = arith.constant 0 : i32
    %dma_wait3A_93 = tpu.memref_slice %arg9[%mul3A_92, %dma_wait3A] : memref<10000x64xf32, #tpu.memory_space<vmem_shared>> -> memref<625x64xf32, #tpu.memory_space<vmem_shared>>
    %dma_wait3A_94 = arith.constant 0 : i32
    %dma_wait3A_95 = tpu.memref_slice %arg2[%mul3A_90, %dma_wait3A_94] : memref<10000x64xf32, #tpu.memory_space<hbm>> -> memref<625x64xf32, #tpu.memory_space<hbm>>
    tpu.wait_dma2 semaphore(%arg11 : memref<!tpu.dma_semaphore, #tpu.memory_space<semaphore_mem>>) src(%dma_wait3A_95 : memref<625x64xf32, #tpu.memory_space<hbm>>) dst(%dma_wait3A_93 : memref<625x64xf32, #tpu.memory_space<vmem_shared>>)
    %dma_wait3A_96 = arith.constant 0 : i32
    %dma_wait3A_97 = arith.constant 0 : i32
    %dma_wait3A_98 = tpu.memref_slice %arg3[%dma_wait3A_96, %min3A_13, %dma_wait3A_97] : memref<2x2500x128xi32, #tpu.memory_space<hbm>> -> memref<1x80x128xi32, #tpu.memory_space<hbm>>
    %dma_wait3A_99 = tpu.memref_squeeze %dma_wait3A_98 : memref<1x80x128xi32, #tpu.memory_space<hbm>> -> memref<80x128xi32, #tpu.memory_space<hbm>>
    %dma_wait3A_100 = arith.constant 0 : i32
    %dma_wait3A_101 = tpu.memref_slice %arg3[%dma_wait3A_96, %min3A_13, %dma_wait3A_100] : memref<2x2500x128xi32, #tpu.memory_space<hbm>> -> memref<1x80x128xi32, #tpu.memory_space<hbm>>
    %dma_wait3A_102 = tpu.memref_squeeze %dma_wait3A_101 : memref<1x80x128xi32, #tpu.memory_space<hbm>> -> memref<80x128xi32, #tpu.memory_space<hbm>>
    tpu.wait_dma2 semaphore(%arg12 : memref<!tpu.dma_semaphore, #tpu.memory_space<semaphore_mem>>) src(%dma_wait3A_102 : memref<80x128xi32, #tpu.memory_space<hbm>>) dst(%arg6 : memref<80x128xi32, #tpu.memory_space<vmem>>)
    %dma_wait3A_103 = arith.constant 1 : i32
    %dma_wait3A_104 = arith.constant 0 : i32
    %dma_wait3A_105 = tpu.memref_slice %arg3[%dma_wait3A_103, %min3A_13, %dma_wait3A_104] : memref<2x2500x128xi32, #tpu.memory_space<hbm>> -> memref<1x80x128xi32, #tpu.memory_space<hbm>>
    %dma_wait3A_106 = tpu.memref_squeeze %dma_wait3A_105 : memref<1x80x128xi32, #tpu.memory_space<hbm>> -> memref<80x128xi32, #tpu.memory_space<hbm>>
    %dma_wait3A_107 = arith.constant 0 : i32
    %dma_wait3A_108 = tpu.memref_slice %arg3[%dma_wait3A_103, %min3A_13, %dma_wait3A_107] : memref<2x2500x128xi32, #tpu.memory_space<hbm>> -> memref<1x80x128xi32, #tpu.memory_space<hbm>>
    %dma_wait3A_109 = tpu.memref_squeeze %dma_wait3A_108 : memref<1x80x128xi32, #tpu.memory_space<hbm>> -> memref<80x128xi32, #tpu.memory_space<hbm>>
    tpu.wait_dma2 semaphore(%arg12 : memref<!tpu.dma_semaphore, #tpu.memory_space<semaphore_mem>>) src(%dma_wait3A_109 : memref<80x128xi32, #tpu.memory_space<hbm>>) dst(%arg7 : memref<80x128xi32, #tpu.memory_space<vmem>>)
    %barrier3A = arith.constant 0 : index
    tpu.barrier barrier_id(%barrier3A)
    %add3A_110 = arith.constant 0 : i32
    %add3A_111 = arith.addi %add3A_110, %sub3A_14 : i32
    %dma_start3A_112 = arith.constant 0 : i32
    %dma_start3A_113 = arith.constant 0 : i32
    %dma_start3A_114 = tpu.memref_slice %arg8[%dma_start3A_112, %dma_start3A_113] : memref<256x64xf32, #tpu.memory_space<vmem>> -> memref<128x64xf32, #tpu.memory_space<vmem>>
    %dma_start3A_115 = arith.constant 0 : i32
    %dma_start3A_116 = tpu.memref_slice %arg6[%add3A_111, %dma_start3A_115] : memref<80x128xi32, #tpu.memory_space<vmem>> -> memref<1x128xi32, #tpu.memory_space<vmem>>
    %dma_start3A_117 = tpu.memref_squeeze %dma_start3A_116 : memref<1x128xi32, #tpu.memory_space<vmem>> -> memref<128xi32, #tpu.memory_space<vmem>>
    %dma_start3A_118 = arith.constant 0 : i32
    %dma_start3A_119 = arith.constant 0 : i32
    %dma_start3A_120 = tpu.memref_slice %arg9[%dma_start3A_118, %dma_start3A_119] : memref<10000x64xf32, #tpu.memory_space<vmem_shared>> -> memref<10000x64xf32, #tpu.memory_space<vmem_shared>>
    tpu.enqueue_indirect_dma source(%dma_start3A_120 : memref<10000x64xf32, #tpu.memory_space<vmem_shared>>) target(%dma_start3A_114 : memref<128x64xf32, #tpu.memory_space<vmem>>) offsets(%dma_start3A_117 : memref<128xi32, #tpu.memory_space<vmem>>) semaphore(%arg11 : memref<!tpu.dma_semaphore, #tpu.memory_space<semaphore_mem>>)
    %while3A = arith.constant 0 : i32
    %while3A_121 = arith.constant 0 : i32
    %while3A_122 = arith.subi %min3A_11, %while3A_121 : i32
    %while3A_123 = arith.addi %while3A_121, %while3A_122 : i32
    %while3A_124 = arith.constant 1 : i32
    %while3A_125 = arith.divsi %while3A_122, %while3A_124 : i32
    %while3A_126 = arith.muli %while3A_125, %while3A_124 : i32
    %while3A_127 = arith.addi %while3A_121, %while3A_126 : i32
    %while3A_128 = arith.constant 1 : i32
    scf.for %while3A_196 = %while3A_121 to %while3A_127 step %while3A_128  : i32 {
      %jit3A_197 = arith.constant 2 : i32
      %eq3A_198 = arith.constant 0 : i32
      %eq3A_199 = arith.cmpi eq, %jit3A_197, %eq3A_198 : i32
      %jit3A_200 = arith.constant 1 : i32
      %select_n3A_201 = arith.select %eq3A_199, %jit3A_200, %jit3A_197 : i32
      %rem3A_202 = arith.remsi %while3A_196, %select_n3A_201 : i32
      %ne3A_203 = arith.constant 0 : i32
      %ne3A_204 = arith.cmpi ne, %rem3A_202, %ne3A_203 : i32
      %lt3A_205 = arith.constant 0 : i32
      %lt3A_206 = arith.cmpi slt, %rem3A_202, %lt3A_205 : i32
      %lt3A_207 = arith.constant 0 : i32
      %lt3A_208 = arith.cmpi slt, %select_n3A_201, %lt3A_207 : i32
      %ne3A_209 = arith.xori %lt3A_206, %lt3A_208 : i1
      %and3A_210 = arith.andi %ne3A_209, %ne3A_204 : i1
      %add3A_211 = arith.addi %rem3A_202, %select_n3A_201 : i32
      %select_n3A_212 = arith.select %and3A_210, %add3A_211, %rem3A_202 : i32
      %mul3A_213 = arith.constant 128 : i32
      %mul3A_214 = arith.muli %select_n3A_212, %mul3A_213 : i32
      %dma_wait3A_215 = arith.constant 0 : i32
      %dma_wait3A_216 = arith.constant 0 : i32
      %dma_wait3A_217 = tpu.memref_slice %arg8[%mul3A_214, %dma_wait3A_216] : memref<256x64xf32, #tpu.memory_space<vmem>> -> memref<128x64xf32, #tpu.memory_space<vmem>>
      %dma_wait3A_218 = arith.constant 0 : i32
      %dma_wait3A_219 = tpu.memref_slice %arg6[%dma_wait3A_215, %dma_wait3A_218] : memref<80x128xi32, #tpu.memory_space<vmem>> -> memref<1x128xi32, #tpu.memory_space<vmem>>
      %dma_wait3A_220 = tpu.memref_squeeze %dma_wait3A_219 : memref<1x128xi32, #tpu.memory_space<vmem>> -> memref<128xi32, #tpu.memory_space<vmem>>
      %dma_wait3A_221 = arith.constant 0 : i32
      %dma_wait3A_222 = arith.constant 0 : i32
      %dma_wait3A_223 = tpu.memref_slice %arg9[%dma_wait3A_221, %dma_wait3A_222] : memref<10000x64xf32, #tpu.memory_space<vmem_shared>> -> memref<10000x64xf32, #tpu.memory_space<vmem_shared>>
      tpu.wait_indirect_dma semaphore(%arg11 : memref<!tpu.dma_semaphore, #tpu.memory_space<semaphore_mem>>) src(%dma_wait3A_223 : memref<10000x64xf32, #tpu.memory_space<vmem_shared>>) dst(%dma_wait3A_217 : memref<128x64xf32, #tpu.memory_space<vmem>>)
      %ge3A = arith.constant 1 : i32
      %ge3A_224 = arith.cmpi sge, %while3A_196, %ge3A : i32
      %convert_element_type3A = arith.extui %ge3A_224 : i1 to i32
      %cond3A = arith.constant 0 : i32
      %cond3A_225 = arith.cmpi ne, %convert_element_type3A, %cond3A : i32
      scf.if %cond3A_225 {
        %sub3A_266 = arith.constant 1 : i32
        %sub3A_267 = arith.subi %while3A_196, %sub3A_266 : i32
        %jit3A_268 = arith.constant 2 : i32
        %eq3A_269 = arith.constant 0 : i32
        %eq3A_270 = arith.cmpi eq, %jit3A_268, %eq3A_269 : i32
        %jit3A_271 = arith.constant 1 : i32
        %select_n3A_272 = arith.select %eq3A_270, %jit3A_271, %jit3A_268 : i32
        %rem3A_273 = arith.remsi %sub3A_267, %select_n3A_272 : i32
        %ne3A_274 = arith.constant 0 : i32
        %ne3A_275 = arith.cmpi ne, %rem3A_273, %ne3A_274 : i32
        %lt3A_276 = arith.constant 0 : i32
        %lt3A_277 = arith.cmpi slt, %rem3A_273, %lt3A_276 : i32
        %lt3A_278 = arith.constant 0 : i32
        %lt3A_279 = arith.cmpi slt, %select_n3A_272, %lt3A_278 : i32
        %ne3A_280 = arith.xori %lt3A_277, %lt3A_279 : i1
        %and3A_281 = arith.andi %ne3A_280, %ne3A_275 : i1
        %add3A_282 = arith.addi %rem3A_273, %select_n3A_272 : i32
        %select_n3A_283 = arith.select %and3A_281, %add3A_282, %rem3A_273 : i32
        %mul3A_284 = arith.constant 128 : i32
        %mul3A_285 = arith.muli %select_n3A_283, %mul3A_284 : i32
        %dma_wait3A_286 = arith.constant 0 : i32
        %dma_wait3A_287 = arith.constant 0 : i32
        %dma_wait3A_288 = tpu.memref_slice %arg8[%mul3A_285, %dma_wait3A_287] : memref<256x64xf32, #tpu.memory_space<vmem>> -> memref<128x64xf32, #tpu.memory_space<vmem>>
        %dma_wait3A_289 = arith.constant 0 : i32
        %dma_wait3A_290 = tpu.memref_slice %arg7[%dma_wait3A_286, %dma_wait3A_289] : memref<80x128xi32, #tpu.memory_space<vmem>> -> memref<1x128xi32, #tpu.memory_space<vmem>>
        %dma_wait3A_291 = tpu.memref_squeeze %dma_wait3A_290 : memref<1x128xi32, #tpu.memory_space<vmem>> -> memref<128xi32, #tpu.memory_space<vmem>>
        %dma_wait3A_292 = arith.constant 0 : i32
        %dma_wait3A_293 = arith.constant 0 : i32
        %dma_wait3A_294 = tpu.memref_slice %arg10[%dma_wait3A_292, %dma_wait3A_293] : memref<10016x64xf32, #tpu.memory_space<vmem_shared>> -> memref<10016x64xf32, #tpu.memory_space<vmem_shared>>
        tpu.wait_indirect_dma semaphore(%arg12 : memref<!tpu.dma_semaphore, #tpu.memory_space<semaphore_mem>>) src(%dma_wait3A_288 : memref<128x64xf32, #tpu.memory_space<vmem>>) dst(%dma_wait3A_294 : memref<10016x64xf32, #tpu.memory_space<vmem_shared>>)
        %dma_wait3A_295 = arith.constant 0 : i32
        %dma_wait3A_296 = arith.constant 0 : i32
        %dma_wait3A_297 = tpu.memref_slice %arg7[%dma_wait3A_295, %dma_wait3A_296] : memref<80x128xi32, #tpu.memory_space<vmem>> -> memref<1x128xi32, #tpu.memory_space<vmem>>
        %dma_wait3A_298 = tpu.memref_squeeze %dma_wait3A_297 : memref<1x128xi32, #tpu.memory_space<vmem>> -> memref<128xi32, #tpu.memory_space<vmem>>
        %dma_wait3A_299 = arith.constant 0 : i32
        %dma_wait3A_300 = arith.constant 0 : i32
        %dma_wait3A_301 = tpu.memref_slice %arg14[%dma_wait3A_299, %dma_wait3A_300] : memref<10016x16xf32, #tpu.memory_space<vmem_shared>> -> memref<10016x16xf32, #tpu.memory_space<vmem_shared>>
        tpu.wait_indirect_dma semaphore(%arg12 : memref<!tpu.dma_semaphore, #tpu.memory_space<semaphore_mem>>) src(%arg13 : memref<128x16xf32, #tpu.memory_space<vmem>>) dst(%dma_wait3A_301 : memref<10016x16xf32, #tpu.memory_space<vmem_shared>>)
      } else {
      }
      %add3A_226 = arith.constant 1 : i32
      %add3A_227 = arith.addi %while3A_196, %add3A_226 : i32
      %lt3A_228 = arith.cmpi slt, %add3A_227, %min3A_11 : i32
      %convert_element_type3A_229 = arith.extui %lt3A_228 : i1 to i32
      %cond3A_230 = arith.constant 0 : i32
      %cond3A_231 = arith.cmpi ne, %convert_element_type3A_229, %cond3A_230 : i32
      scf.if %cond3A_231 {
        %add3A_266 = arith.constant 1 : i32
        %add3A_267 = arith.addi %while3A_196, %add3A_266 : i32
        %add3A_268 = arith.addi %add3A_267, %sub3A_14 : i32
        %jit3A_269 = arith.constant 2 : i32
        %eq3A_270 = arith.constant 0 : i32
        %eq3A_271 = arith.cmpi eq, %jit3A_269, %eq3A_270 : i32
        %jit3A_272 = arith.constant 1 : i32
        %select_n3A_273 = arith.select %eq3A_271, %jit3A_272, %jit3A_269 : i32
        %rem3A_274 = arith.remsi %add3A_267, %select_n3A_273 : i32
        %ne3A_275 = arith.constant 0 : i32
        %ne3A_276 = arith.cmpi ne, %rem3A_274, %ne3A_275 : i32
        %lt3A_277 = arith.constant 0 : i32
        %lt3A_278 = arith.cmpi slt, %rem3A_274, %lt3A_277 : i32
        %lt3A_279 = arith.constant 0 : i32
        %lt3A_280 = arith.cmpi slt, %select_n3A_273, %lt3A_279 : i32
        %ne3A_281 = arith.xori %lt3A_278, %lt3A_280 : i1
        %and3A_282 = arith.andi %ne3A_281, %ne3A_276 : i1
        %add3A_283 = arith.addi %rem3A_274, %select_n3A_273 : i32
        %select_n3A_284 = arith.select %and3A_282, %add3A_283, %rem3A_274 : i32
        %mul3A_285 = arith.constant 128 : i32
        %mul3A_286 = arith.muli %select_n3A_284, %mul3A_285 : i32
        %dma_start3A_287 = arith.constant 0 : i32
        %dma_start3A_288 = tpu.memref_slice %arg8[%mul3A_286, %dma_start3A_287] : memref<256x64xf32, #tpu.memory_space<vmem>> -> memref<128x64xf32, #tpu.memory_space<vmem>>
        %dma_start3A_289 = arith.constant 0 : i32
        %dma_start3A_290 = tpu.memref_slice %arg6[%add3A_268, %dma_start3A_289] : memref<80x128xi32, #tpu.memory_space<vmem>> -> memref<1x128xi32, #tpu.memory_space<vmem>>
        %dma_start3A_291 = tpu.memref_squeeze %dma_start3A_290 : memref<1x128xi32, #tpu.memory_space<vmem>> -> memref<128xi32, #tpu.memory_space<vmem>>
        %dma_start3A_292 = arith.constant 0 : i32
        %dma_start3A_293 = arith.constant 0 : i32
        %dma_start3A_294 = tpu.memref_slice %arg9[%dma_start3A_292, %dma_start3A_293] : memref<10000x64xf32, #tpu.memory_space<vmem_shared>> -> memref<10000x64xf32, #tpu.memory_space<vmem_shared>>
        tpu.enqueue_indirect_dma source(%dma_start3A_294 : memref<10000x64xf32, #tpu.memory_space<vmem_shared>>) target(%dma_start3A_288 : memref<128x64xf32, #tpu.memory_space<vmem>>) offsets(%dma_start3A_291 : memref<128xi32, #tpu.memory_space<vmem>>) semaphore(%arg11 : memref<!tpu.dma_semaphore, #tpu.memory_space<semaphore_mem>>)
      } else {
      }
      %jit3A_232 = arith.constant 2 : i32
      %eq3A_233 = arith.constant 0 : i32
      %eq3A_234 = arith.cmpi eq, %jit3A_232, %eq3A_233 : i32
      %jit3A_235 = arith.constant 1 : i32
      %select_n3A_236 = arith.select %eq3A_234, %jit3A_235, %jit3A_232 : i32
      %rem3A_237 = arith.remsi %while3A_196, %select_n3A_236 : i32
      %ne3A_238 = arith.constant 0 : i32
      %ne3A_239 = arith.cmpi ne, %rem3A_237, %ne3A_238 : i32
      %lt3A_240 = arith.constant 0 : i32
      %lt3A_241 = arith.cmpi slt, %rem3A_237, %lt3A_240 : i32
      %lt3A_242 = arith.constant 0 : i32
      %lt3A_243 = arith.cmpi slt, %select_n3A_236, %lt3A_242 : i32
      %ne3A_244 = arith.xori %lt3A_241, %lt3A_243 : i1
      %and3A_245 = arith.andi %ne3A_244, %ne3A_239 : i1
      %add3A_246 = arith.addi %rem3A_237, %select_n3A_236 : i32
      %select_n3A_247 = arith.select %and3A_245, %add3A_246, %rem3A_237 : i32
      %mul3A_248 = arith.constant 128 : i32
      %mul3A_249 = arith.muli %select_n3A_247, %mul3A_248 : i32
      %add3A_250 = arith.addi %while3A_196, %sub3A_14 : i32
      %dma_start3A_251 = arith.constant 0 : i32
      %dma_start3A_252 = tpu.memref_slice %arg8[%mul3A_249, %dma_start3A_251] : memref<256x64xf32, #tpu.memory_space<vmem>> -> memref<128x64xf32, #tpu.memory_space<vmem>>
      %dma_start3A_253 = arith.constant 0 : i32
      %dma_start3A_254 = tpu.memref_slice %arg7[%add3A_250, %dma_start3A_253] : memref<80x128xi32, #tpu.memory_space<vmem>> -> memref<1x128xi32, #tpu.memory_space<vmem>>
      %dma_start3A_255 = tpu.memref_squeeze %dma_start3A_254 : memref<1x128xi32, #tpu.memory_space<vmem>> -> memref<128xi32, #tpu.memory_space<vmem>>
      %dma_start3A_256 = arith.constant 0 : i32
      %dma_start3A_257 = arith.constant 0 : i32
      %dma_start3A_258 = tpu.memref_slice %arg10[%dma_start3A_256, %dma_start3A_257] : memref<10016x64xf32, #tpu.memory_space<vmem_shared>> -> memref<10016x64xf32, #tpu.memory_space<vmem_shared>>
      tpu.enqueue_indirect_dma source(%dma_start3A_252 : memref<128x64xf32, #tpu.memory_space<vmem>>) target(%dma_start3A_258 : memref<10016x64xf32, #tpu.memory_space<vmem_shared>>) offsets(%dma_start3A_255 : memref<128xi32, #tpu.memory_space<vmem>>) semaphore(%arg12 : memref<!tpu.dma_semaphore, #tpu.memory_space<semaphore_mem>>) {add = true}
      %add3A_259 = arith.addi %while3A_196, %sub3A_14 : i32
      %dma_start3A_260 = arith.constant 0 : i32
      %dma_start3A_261 = tpu.memref_slice %arg7[%add3A_259, %dma_start3A_260] : memref<80x128xi32, #tpu.memory_space<vmem>> -> memref<1x128xi32, #tpu.memory_space<vmem>>
      %dma_start3A_262 = tpu.memref_squeeze %dma_start3A_261 : memref<1x128xi32, #tpu.memory_space<vmem>> -> memref<128xi32, #tpu.memory_space<vmem>>
      %dma_start3A_263 = arith.constant 0 : i32
      %dma_start3A_264 = arith.constant 0 : i32
      %dma_start3A_265 = tpu.memref_slice %arg14[%dma_start3A_263, %dma_start3A_264] : memref<10016x16xf32, #tpu.memory_space<vmem_shared>> -> memref<10016x16xf32, #tpu.memory_space<vmem_shared>>
      tpu.enqueue_indirect_dma source(%arg13 : memref<128x16xf32, #tpu.memory_space<vmem>>) target(%dma_start3A_265 : memref<10016x16xf32, #tpu.memory_space<vmem_shared>>) offsets(%dma_start3A_262 : memref<128xi32, #tpu.memory_space<vmem>>) semaphore(%arg12 : memref<!tpu.dma_semaphore, #tpu.memory_space<semaphore_mem>>) {add = true}
    }
    %while3A_129 = arith.constant 1 : i32
    scf.for %while3A_196 = %while3A_127 to %while3A_123 step %while3A_129  : i32 {
      %jit3A_197 = arith.constant 2 : i32
      %eq3A_198 = arith.constant 0 : i32
      %eq3A_199 = arith.cmpi eq, %jit3A_197, %eq3A_198 : i32
      %jit3A_200 = arith.constant 1 : i32
      %select_n3A_201 = arith.select %eq3A_199, %jit3A_200, %jit3A_197 : i32
      %rem3A_202 = arith.remsi %while3A_196, %select_n3A_201 : i32
      %ne3A_203 = arith.constant 0 : i32
      %ne3A_204 = arith.cmpi ne, %rem3A_202, %ne3A_203 : i32
      %lt3A_205 = arith.constant 0 : i32
      %lt3A_206 = arith.cmpi slt, %rem3A_202, %lt3A_205 : i32
      %lt3A_207 = arith.constant 0 : i32
      %lt3A_208 = arith.cmpi slt, %select_n3A_201, %lt3A_207 : i32
      %ne3A_209 = arith.xori %lt3A_206, %lt3A_208 : i1
      %and3A_210 = arith.andi %ne3A_209, %ne3A_204 : i1
      %add3A_211 = arith.addi %rem3A_202, %select_n3A_201 : i32
      %select_n3A_212 = arith.select %and3A_210, %add3A_211, %rem3A_202 : i32
      %mul3A_213 = arith.constant 128 : i32
      %mul3A_214 = arith.muli %select_n3A_212, %mul3A_213 : i32
      %dma_wait3A_215 = arith.constant 0 : i32
      %dma_wait3A_216 = arith.constant 0 : i32
      %dma_wait3A_217 = tpu.memref_slice %arg8[%mul3A_214, %dma_wait3A_216] : memref<256x64xf32, #tpu.memory_space<vmem>> -> memref<128x64xf32, #tpu.memory_space<vmem>>
      %dma_wait3A_218 = arith.constant 0 : i32
      %dma_wait3A_219 = tpu.memref_slice %arg6[%dma_wait3A_215, %dma_wait3A_218] : memref<80x128xi32, #tpu.memory_space<vmem>> -> memref<1x128xi32, #tpu.memory_space<vmem>>
      %dma_wait3A_220 = tpu.memref_squeeze %dma_wait3A_219 : memref<1x128xi32, #tpu.memory_space<vmem>> -> memref<128xi32, #tpu.memory_space<vmem>>
      %dma_wait3A_221 = arith.constant 0 : i32
      %dma_wait3A_222 = arith.constant 0 : i32
      %dma_wait3A_223 = tpu.memref_slice %arg9[%dma_wait3A_221, %dma_wait3A_222] : memref<10000x64xf32, #tpu.memory_space<vmem_shared>> -> memref<10000x64xf32, #tpu.memory_space<vmem_shared>>
      tpu.wait_indirect_dma semaphore(%arg11 : memref<!tpu.dma_semaphore, #tpu.memory_space<semaphore_mem>>) src(%dma_wait3A_223 : memref<10000x64xf32, #tpu.memory_space<vmem_shared>>) dst(%dma_wait3A_217 : memref<128x64xf32, #tpu.memory_space<vmem>>)
      %ge3A = arith.constant 1 : i32
      %ge3A_224 = arith.cmpi sge, %while3A_196, %ge3A : i32
      %convert_element_type3A = arith.extui %ge3A_224 : i1 to i32
      %cond3A = arith.constant 0 : i32
      %cond3A_225 = arith.cmpi ne, %convert_element_type3A, %cond3A : i32
      scf.if %cond3A_225 {
        %sub3A_266 = arith.constant 1 : i32
        %sub3A_267 = arith.subi %while3A_196, %sub3A_266 : i32
        %jit3A_268 = arith.constant 2 : i32
        %eq3A_269 = arith.constant 0 : i32
        %eq3A_270 = arith.cmpi eq, %jit3A_268, %eq3A_269 : i32
        %jit3A_271 = arith.constant 1 : i32
        %select_n3A_272 = arith.select %eq3A_270, %jit3A_271, %jit3A_268 : i32
        %rem3A_273 = arith.remsi %sub3A_267, %select_n3A_272 : i32
        %ne3A_274 = arith.constant 0 : i32
        %ne3A_275 = arith.cmpi ne, %rem3A_273, %ne3A_274 : i32
        %lt3A_276 = arith.constant 0 : i32
        %lt3A_277 = arith.cmpi slt, %rem3A_273, %lt3A_276 : i32
        %lt3A_278 = arith.constant 0 : i32
        %lt3A_279 = arith.cmpi slt, %select_n3A_272, %lt3A_278 : i32
        %ne3A_280 = arith.xori %lt3A_277, %lt3A_279 : i1
        %and3A_281 = arith.andi %ne3A_280, %ne3A_275 : i1
        %add3A_282 = arith.addi %rem3A_273, %select_n3A_272 : i32
        %select_n3A_283 = arith.select %and3A_281, %add3A_282, %rem3A_273 : i32
        %mul3A_284 = arith.constant 128 : i32
        %mul3A_285 = arith.muli %select_n3A_283, %mul3A_284 : i32
        %dma_wait3A_286 = arith.constant 0 : i32
        %dma_wait3A_287 = arith.constant 0 : i32
        %dma_wait3A_288 = tpu.memref_slice %arg8[%mul3A_285, %dma_wait3A_287] : memref<256x64xf32, #tpu.memory_space<vmem>> -> memref<128x64xf32, #tpu.memory_space<vmem>>
        %dma_wait3A_289 = arith.constant 0 : i32
        %dma_wait3A_290 = tpu.memref_slice %arg7[%dma_wait3A_286, %dma_wait3A_289] : memref<80x128xi32, #tpu.memory_space<vmem>> -> memref<1x128xi32, #tpu.memory_space<vmem>>
        %dma_wait3A_291 = tpu.memref_squeeze %dma_wait3A_290 : memref<1x128xi32, #tpu.memory_space<vmem>> -> memref<128xi32, #tpu.memory_space<vmem>>
        %dma_wait3A_292 = arith.constant 0 : i32
        %dma_wait3A_293 = arith.constant 0 : i32
        %dma_wait3A_294 = tpu.memref_slice %arg10[%dma_wait3A_292, %dma_wait3A_293] : memref<10016x64xf32, #tpu.memory_space<vmem_shared>> -> memref<10016x64xf32, #tpu.memory_space<vmem_shared>>
        tpu.wait_indirect_dma semaphore(%arg12 : memref<!tpu.dma_semaphore, #tpu.memory_space<semaphore_mem>>) src(%dma_wait3A_288 : memref<128x64xf32, #tpu.memory_space<vmem>>) dst(%dma_wait3A_294 : memref<10016x64xf32, #tpu.memory_space<vmem_shared>>)
        %dma_wait3A_295 = arith.constant 0 : i32
        %dma_wait3A_296 = arith.constant 0 : i32
        %dma_wait3A_297 = tpu.memref_slice %arg7[%dma_wait3A_295, %dma_wait3A_296] : memref<80x128xi32, #tpu.memory_space<vmem>> -> memref<1x128xi32, #tpu.memory_space<vmem>>
        %dma_wait3A_298 = tpu.memref_squeeze %dma_wait3A_297 : memref<1x128xi32, #tpu.memory_space<vmem>> -> memref<128xi32, #tpu.memory_space<vmem>>
        %dma_wait3A_299 = arith.constant 0 : i32
        %dma_wait3A_300 = arith.constant 0 : i32
        %dma_wait3A_301 = tpu.memref_slice %arg14[%dma_wait3A_299, %dma_wait3A_300] : memref<10016x16xf32, #tpu.memory_space<vmem_shared>> -> memref<10016x16xf32, #tpu.memory_space<vmem_shared>>
        tpu.wait_indirect_dma semaphore(%arg12 : memref<!tpu.dma_semaphore, #tpu.memory_space<semaphore_mem>>) src(%arg13 : memref<128x16xf32, #tpu.memory_space<vmem>>) dst(%dma_wait3A_301 : memref<10016x16xf32, #tpu.memory_space<vmem_shared>>)
      } else {
      }
      %add3A_226 = arith.constant 1 : i32
      %add3A_227 = arith.addi %while3A_196, %add3A_226 : i32
      %lt3A_228 = arith.cmpi slt, %add3A_227, %min3A_11 : i32
      %convert_element_type3A_229 = arith.extui %lt3A_228 : i1 to i32
      %cond3A_230 = arith.constant 0 : i32
      %cond3A_231 = arith.cmpi ne, %convert_element_type3A_229, %cond3A_230 : i32
      scf.if %cond3A_231 {
        %add3A_266 = arith.constant 1 : i32
        %add3A_267 = arith.addi %while3A_196, %add3A_266 : i32
        %add3A_268 = arith.addi %add3A_267, %sub3A_14 : i32
        %jit3A_269 = arith.constant 2 : i32
        %eq3A_270 = arith.constant 0 : i32
        %eq3A_271 = arith.cmpi eq, %jit3A_269, %eq3A_270 : i32
        %jit3A_272 = arith.constant 1 : i32
        %select_n3A_273 = arith.select %eq3A_271, %jit3A_272, %jit3A_269 : i32
        %rem3A_274 = arith.remsi %add3A_267, %select_n3A_273 : i32
        %ne3A_275 = arith.constant 0 : i32
        %ne3A_276 = arith.cmpi ne, %rem3A_274, %ne3A_275 : i32
        %lt3A_277 = arith.constant 0 : i32
        %lt3A_278 = arith.cmpi slt, %rem3A_274, %lt3A_277 : i32
        %lt3A_279 = arith.constant 0 : i32
        %lt3A_280 = arith.cmpi slt, %select_n3A_273, %lt3A_279 : i32
        %ne3A_281 = arith.xori %lt3A_278, %lt3A_280 : i1
        %and3A_282 = arith.andi %ne3A_281, %ne3A_276 : i1
        %add3A_283 = arith.addi %rem3A_274, %select_n3A_273 : i32
        %select_n3A_284 = arith.select %and3A_282, %add3A_283, %rem3A_274 : i32
        %mul3A_285 = arith.constant 128 : i32
        %mul3A_286 = arith.muli %select_n3A_284, %mul3A_285 : i32
        %dma_start3A_287 = arith.constant 0 : i32
        %dma_start3A_288 = tpu.memref_slice %arg8[%mul3A_286, %dma_start3A_287] : memref<256x64xf32, #tpu.memory_space<vmem>> -> memref<128x64xf32, #tpu.memory_space<vmem>>
        %dma_start3A_289 = arith.constant 0 : i32
        %dma_start3A_290 = tpu.memref_slice %arg6[%add3A_268, %dma_start3A_289] : memref<80x128xi32, #tpu.memory_space<vmem>> -> memref<1x128xi32, #tpu.memory_space<vmem>>
        %dma_start3A_291 = tpu.memref_squeeze %dma_start3A_290 : memref<1x128xi32, #tpu.memory_space<vmem>> -> memref<128xi32, #tpu.memory_space<vmem>>
        %dma_start3A_292 = arith.constant 0 : i32
        %dma_start3A_293 = arith.constant 0 : i32
        %dma_start3A_294 = tpu.memref_slice %arg9[%dma_start3A_292, %dma_start3A_293] : memref<10000x64xf32, #tpu.memory_space<vmem_shared>> -> memref<10000x64xf32, #tpu.memory_space<vmem_shared>>
        tpu.enqueue_indirect_dma source(%dma_start3A_294 : memref<10000x64xf32, #tpu.memory_space<vmem_shared>>) target(%dma_start3A_288 : memref<128x64xf32, #tpu.memory_space<vmem>>) offsets(%dma_start3A_291 : memref<128xi32, #tpu.memory_space<vmem>>) semaphore(%arg11 : memref<!tpu.dma_semaphore, #tpu.memory_space<semaphore_mem>>)
      } else {
      }
      %jit3A_232 = arith.constant 2 : i32
      %eq3A_233 = arith.constant 0 : i32
      %eq3A_234 = arith.cmpi eq, %jit3A_232, %eq3A_233 : i32
      %jit3A_235 = arith.constant 1 : i32
      %select_n3A_236 = arith.select %eq3A_234, %jit3A_235, %jit3A_232 : i32
      %rem3A_237 = arith.remsi %while3A_196, %select_n3A_236 : i32
      %ne3A_238 = arith.constant 0 : i32
      %ne3A_239 = arith.cmpi ne, %rem3A_237, %ne3A_238 : i32
      %lt3A_240 = arith.constant 0 : i32
      %lt3A_241 = arith.cmpi slt, %rem3A_237, %lt3A_240 : i32
      %lt3A_242 = arith.constant 0 : i32
      %lt3A_243 = arith.cmpi slt, %select_n3A_236, %lt3A_242 : i32
      %ne3A_244 = arith.xori %lt3A_241, %lt3A_243 : i1
      %and3A_245 = arith.andi %ne3A_244, %ne3A_239 : i1
      %add3A_246 = arith.addi %rem3A_237, %select_n3A_236 : i32
      %select_n3A_247 = arith.select %and3A_245, %add3A_246, %rem3A_237 : i32
      %mul3A_248 = arith.constant 128 : i32
      %mul3A_249 = arith.muli %select_n3A_247, %mul3A_248 : i32
      %add3A_250 = arith.addi %while3A_196, %sub3A_14 : i32
      %dma_start3A_251 = arith.constant 0 : i32
      %dma_start3A_252 = tpu.memref_slice %arg8[%mul3A_249, %dma_start3A_251] : memref<256x64xf32, #tpu.memory_space<vmem>> -> memref<128x64xf32, #tpu.memory_space<vmem>>
      %dma_start3A_253 = arith.constant 0 : i32
      %dma_start3A_254 = tpu.memref_slice %arg7[%add3A_250, %dma_start3A_253] : memref<80x128xi32, #tpu.memory_space<vmem>> -> memref<1x128xi32, #tpu.memory_space<vmem>>
      %dma_start3A_255 = tpu.memref_squeeze %dma_start3A_254 : memref<1x128xi32, #tpu.memory_space<vmem>> -> memref<128xi32, #tpu.memory_space<vmem>>
      %dma_start3A_256 = arith.constant 0 : i32
      %dma_start3A_257 = arith.constant 0 : i32
      %dma_start3A_258 = tpu.memref_slice %arg10[%dma_start3A_256, %dma_start3A_257] : memref<10016x64xf32, #tpu.memory_space<vmem_shared>> -> memref<10016x64xf32, #tpu.memory_space<vmem_shared>>
      tpu.enqueue_indirect_dma source(%dma_start3A_252 : memref<128x64xf32, #tpu.memory_space<vmem>>) target(%dma_start3A_258 : memref<10016x64xf32, #tpu.memory_space<vmem_shared>>) offsets(%dma_start3A_255 : memref<128xi32, #tpu.memory_space<vmem>>) semaphore(%arg12 : memref<!tpu.dma_semaphore, #tpu.memory_space<semaphore_mem>>) {add = true}
      %add3A_259 = arith.addi %while3A_196, %sub3A_14 : i32
      %dma_start3A_260 = arith.constant 0 : i32
      %dma_start3A_261 = tpu.memref_slice %arg7[%add3A_259, %dma_start3A_260] : memref<80x128xi32, #tpu.memory_space<vmem>> -> memref<1x128xi32, #tpu.memory_space<vmem>>
      %dma_start3A_262 = tpu.memref_squeeze %dma_start3A_261 : memref<1x128xi32, #tpu.memory_space<vmem>> -> memref<128xi32, #tpu.memory_space<vmem>>
      %dma_start3A_263 = arith.constant 0 : i32
      %dma_start3A_264 = arith.constant 0 : i32
      %dma_start3A_265 = tpu.memref_slice %arg14[%dma_start3A_263, %dma_start3A_264] : memref<10016x16xf32, #tpu.memory_space<vmem_shared>> -> memref<10016x16xf32, #tpu.memory_space<vmem_shared>>
      tpu.enqueue_indirect_dma source(%arg13 : memref<128x16xf32, #tpu.memory_space<vmem>>) target(%dma_start3A_265 : memref<10016x16xf32, #tpu.memory_space<vmem_shared>>) offsets(%dma_start3A_262 : memref<128xi32, #tpu.memory_space<vmem>>) semaphore(%arg12 : memref<!tpu.dma_semaphore, #tpu.memory_space<semaphore_mem>>) {add = true}
    }
    %sub3A_130 = arith.constant 1 : i32
    %sub3A_131 = arith.subi %min3A_11, %sub3A_130 : i32
    %jit3A = arith.constant 2 : i32
    %eq3A = arith.constant 0 : i32
    %eq3A_132 = arith.cmpi eq, %jit3A, %eq3A : i32
    %jit3A_133 = arith.constant 1 : i32
    %select_n3A = arith.select %eq3A_132, %jit3A_133, %jit3A : i32
    %rem3A = arith.remsi %sub3A_131, %select_n3A : i32
    %ne3A = arith.constant 0 : i32
    %ne3A_134 = arith.cmpi ne, %rem3A, %ne3A : i32
    %lt3A = arith.constant 0 : i32
    %lt3A_135 = arith.cmpi slt, %rem3A, %lt3A : i32
    %lt3A_136 = arith.constant 0 : i32
    %lt3A_137 = arith.cmpi slt, %select_n3A, %lt3A_136 : i32
    %ne3A_138 = arith.xori %lt3A_135, %lt3A_137 : i1
    %and3A = arith.andi %ne3A_138, %ne3A_134 : i1
    %add3A_139 = arith.addi %rem3A, %select_n3A : i32
    %select_n3A_140 = arith.select %and3A, %add3A_139, %rem3A : i32
    %mul3A_141 = arith.constant 128 : i32
    %mul3A_142 = arith.muli %select_n3A_140, %mul3A_141 : i32
    %dma_wait3A_143 = arith.constant 0 : i32
    %dma_wait3A_144 = arith.constant 0 : i32
    %dma_wait3A_145 = tpu.memref_slice %arg8[%mul3A_142, %dma_wait3A_144] : memref<256x64xf32, #tpu.memory_space<vmem>> -> memref<128x64xf32, #tpu.memory_space<vmem>>
    %dma_wait3A_146 = arith.constant 0 : i32
    %dma_wait3A_147 = tpu.memref_slice %arg7[%dma_wait3A_143, %dma_wait3A_146] : memref<80x128xi32, #tpu.memory_space<vmem>> -> memref<1x128xi32, #tpu.memory_space<vmem>>
    %dma_wait3A_148 = tpu.memref_squeeze %dma_wait3A_147 : memref<1x128xi32, #tpu.memory_space<vmem>> -> memref<128xi32, #tpu.memory_space<vmem>>
    %dma_wait3A_149 = arith.constant 0 : i32
    %dma_wait3A_150 = arith.constant 0 : i32
    %dma_wait3A_151 = tpu.memref_slice %arg10[%dma_wait3A_149, %dma_wait3A_150] : memref<10016x64xf32, #tpu.memory_space<vmem_shared>> -> memref<10016x64xf32, #tpu.memory_space<vmem_shared>>
    tpu.wait_indirect_dma semaphore(%arg12 : memref<!tpu.dma_semaphore, #tpu.memory_space<semaphore_mem>>) src(%dma_wait3A_145 : memref<128x64xf32, #tpu.memory_space<vmem>>) dst(%dma_wait3A_151 : memref<10016x64xf32, #tpu.memory_space<vmem_shared>>)
    %dma_wait3A_152 = arith.constant 0 : i32
    %dma_wait3A_153 = arith.constant 0 : i32
    %dma_wait3A_154 = tpu.memref_slice %arg7[%dma_wait3A_152, %dma_wait3A_153] : memref<80x128xi32, #tpu.memory_space<vmem>> -> memref<1x128xi32, #tpu.memory_space<vmem>>
    %dma_wait3A_155 = tpu.memref_squeeze %dma_wait3A_154 : memref<1x128xi32, #tpu.memory_space<vmem>> -> memref<128xi32, #tpu.memory_space<vmem>>
    %dma_wait3A_156 = arith.constant 0 : i32
    %dma_wait3A_157 = arith.constant 0 : i32
    %dma_wait3A_158 = tpu.memref_slice %arg14[%dma_wait3A_156, %dma_wait3A_157] : memref<10016x16xf32, #tpu.memory_space<vmem_shared>> -> memref<10016x16xf32, #tpu.memory_space<vmem_shared>>
    tpu.wait_indirect_dma semaphore(%arg12 : memref<!tpu.dma_semaphore, #tpu.memory_space<semaphore_mem>>) src(%arg13 : memref<128x16xf32, #tpu.memory_space<vmem>>) dst(%dma_wait3A_158 : memref<10016x16xf32, #tpu.memory_space<vmem_shared>>)
    %barrier3A_159 = arith.constant 0 : index
    tpu.barrier barrier_id(%barrier3A_159)
    %mul3A_160 = arith.constant 626 : i32
    %mul3A_161 = arith.muli %arg1, %mul3A_160 : i32
    %mul3A_162 = arith.constant 626 : i32
    %mul3A_163 = arith.muli %arg1, %mul3A_162 : i32
    %dma_start3A_164 = arith.constant 0 : i32
    %dma_start3A_165 = tpu.memref_slice %arg4[%arg0, %mul3A_163, %dma_start3A_164] : memref<2x10016x64xf32, #tpu.memory_space<hbm>> -> memref<1x626x64xf32, #tpu.memory_space<hbm>>
    %dma_start3A_166 = tpu.memref_squeeze %dma_start3A_165 : memref<1x626x64xf32, #tpu.memory_space<hbm>> -> memref<626x64xf32, #tpu.memory_space<hbm>>
    %dma_start3A_167 = arith.constant 0 : i32
    %dma_start3A_168 = tpu.memref_slice %arg10[%mul3A_161, %dma_start3A_167] : memref<10016x64xf32, #tpu.memory_space<vmem_shared>> -> memref<626x64xf32, #tpu.memory_space<vmem_shared>>
    tpu.enqueue_dma source(%dma_start3A_168 : memref<626x64xf32, #tpu.memory_space<vmem_shared>>) target(%dma_start3A_166 : memref<626x64xf32, #tpu.memory_space<hbm>>) target_semaphore(%arg11 : memref<!tpu.dma_semaphore, #tpu.memory_space<semaphore_mem>>)
    %mul3A_169 = arith.constant 626 : i32
    %mul3A_170 = arith.muli %arg1, %mul3A_169 : i32
    %mul3A_171 = arith.constant 626 : i32
    %mul3A_172 = arith.muli %arg1, %mul3A_171 : i32
    %dma_start3A_173 = arith.constant 0 : i32
    %dma_start3A_174 = tpu.memref_slice %arg5[%arg0, %mul3A_172, %dma_start3A_173] : memref<2x10016x16xf32, #tpu.memory_space<hbm>> -> memref<1x626x16xf32, #tpu.memory_space<hbm>>
    %dma_start3A_175 = tpu.memref_squeeze %dma_start3A_174 : memref<1x626x16xf32, #tpu.memory_space<hbm>> -> memref<626x16xf32, #tpu.memory_space<hbm>>
    %dma_start3A_176 = arith.constant 0 : i32
    %dma_start3A_177 = tpu.memref_slice %arg14[%mul3A_170, %dma_start3A_176] : memref<10016x16xf32, #tpu.memory_space<vmem_shared>> -> memref<626x16xf32, #tpu.memory_space<vmem_shared>>
    tpu.enqueue_dma source(%dma_start3A_177 : memref<626x16xf32, #tpu.memory_space<vmem_shared>>) target(%dma_start3A_175 : memref<626x16xf32, #tpu.memory_space<hbm>>) target_semaphore(%arg12 : memref<!tpu.dma_semaphore, #tpu.memory_space<semaphore_mem>>)
    %mul3A_178 = arith.constant 626 : i32
    %mul3A_179 = arith.muli %arg1, %mul3A_178 : i32
    %mul3A_180 = arith.constant 626 : i32
    %mul3A_181 = arith.muli %arg1, %mul3A_180 : i32
    %dma_wait3A_182 = arith.constant 0 : i32
    %dma_wait3A_183 = tpu.memref_slice %arg4[%arg0, %mul3A_181, %dma_wait3A_182] : memref<2x10016x64xf32, #tpu.memory_space<hbm>> -> memref<1x626x64xf32, #tpu.memory_space<hbm>>
    %dma_wait3A_184 = tpu.memref_squeeze %dma_wait3A_183 : memref<1x626x64xf32, #tpu.memory_space<hbm>> -> memref<626x64xf32, #tpu.memory_space<hbm>>
    %dma_wait3A_185 = arith.constant 0 : i32
    %dma_wait3A_186 = tpu.memref_slice %arg10[%mul3A_179, %dma_wait3A_185] : memref<10016x64xf32, #tpu.memory_space<vmem_shared>> -> memref<626x64xf32, #tpu.memory_space<vmem_shared>>
    tpu.wait_dma2 semaphore(%arg11 : memref<!tpu.dma_semaphore, #tpu.memory_space<semaphore_mem>>) src(%dma_wait3A_186 : memref<626x64xf32, #tpu.memory_space<vmem_shared>>) dst(%dma_wait3A_184 : memref<626x64xf32, #tpu.memory_space<hbm>>)
    %mul3A_187 = arith.constant 626 : i32
    %mul3A_188 = arith.muli %arg1, %mul3A_187 : i32
    %mul3A_189 = arith.constant 626 : i32
    %mul3A_190 = arith.muli %arg1, %mul3A_189 : i32
    %dma_wait3A_191 = arith.constant 0 : i32
    %dma_wait3A_192 = tpu.memref_slice %arg5[%arg0, %mul3A_190, %dma_wait3A_191] : memref<2x10016x16xf32, #tpu.memory_space<hbm>> -> memref<1x626x16xf32, #tpu.memory_space<hbm>>
    %dma_wait3A_193 = tpu.memref_squeeze %dma_wait3A_192 : memref<1x626x16xf32, #tpu.memory_space<hbm>> -> memref<626x16xf32, #tpu.memory_space<hbm>>
    %dma_wait3A_194 = arith.constant 0 : i32
    %dma_wait3A_195 = tpu.memref_slice %arg14[%mul3A_188, %dma_wait3A_194] : memref<10016x16xf32, #tpu.memory_space<vmem_shared>> -> memref<626x16xf32, #tpu.memory_space<vmem_shared>>
    tpu.wait_dma2 semaphore(%arg12 : memref<!tpu.dma_semaphore, #tpu.memory_space<semaphore_mem>>) src(%dma_wait3A_195 : memref<626x16xf32, #tpu.memory_space<vmem_shared>>) dst(%dma_wait3A_193 : memref<626x16xf32, #tpu.memory_space<hbm>>)
    return
  }
}

#map = affine_map<(d0, d1) -> (0, 0)>
#map1 = affine_map<(d0, d1) -> (0, 0, 0)>
module attributes {stable_mosaic.version = 14 : i64} {
  func.func @agg(%arg0: i32, %arg1: i32, %arg2: memref<10000x64xf32, #tpu.memory_space<hbm>>, %arg3: memref<2x2500x128xi32, #tpu.memory_space<hbm>>, %arg4: memref<2x10016x64xf32, #tpu.memory_space<hbm>>, %arg5: memref<80x128xi32, #tpu.memory_space<vmem>>, %arg6: memref<80x128xi32, #tpu.memory_space<vmem>>, %arg7: memref<256x64xf32, #tpu.memory_space<vmem>>, %arg8: memref<10000x64xf32, #tpu.memory_space<vmem_shared>>, %arg9: memref<10016x64xf32, #tpu.memory_space<vmem_shared>>, %arg10: memref<!tpu.dma_semaphore, #tpu.memory_space<semaphore_mem>>, %arg11: memref<!tpu.dma_semaphore, #tpu.memory_space<semaphore_mem>>) attributes {dimension_semantics = [#tpu.dimension_semantics<core_parallel>, #tpu.dimension_semantics<subcore_parallel>], iteration_bounds = array<i64: 2, 16>, scalar_prefetch = 0 : i64, scratch_operands = 7 : i64, tpu.core_type = #tpu.core_type<sc_vector_subcore>, window_params = [{transform_indices = #map}, {transform_indices = #map1}, {transform_indices = #map1}]} {
    %mul3A = arith.constant 2 : i32
    %mul3A_0 = arith.muli %arg1, %mul3A : i32
    %add3A = arith.addi %mul3A_0, %arg0 : i32
    %mul3A_1 = arith.constant 625 : i32
    %mul3A_2 = arith.muli %arg1, %mul3A_1 : i32
    %mul3A_3 = arith.constant 625 : i32
    %mul3A_4 = arith.muli %arg1, %mul3A_3 : i32
    %dma_start3A = arith.constant 0 : i32
    %dma_start3A_5 = tpu.memref_slice %arg8[%mul3A_4, %dma_start3A] : memref<10000x64xf32, #tpu.memory_space<vmem_shared>> -> memref<625x64xf32, #tpu.memory_space<vmem_shared>>
    %dma_start3A_6 = arith.constant 0 : i32
    %dma_start3A_7 = tpu.memref_slice %arg2[%mul3A_2, %dma_start3A_6] : memref<10000x64xf32, #tpu.memory_space<hbm>> -> memref<625x64xf32, #tpu.memory_space<hbm>>
    tpu.enqueue_dma source(%dma_start3A_7 : memref<625x64xf32, #tpu.memory_space<hbm>>) target(%dma_start3A_5 : memref<625x64xf32, #tpu.memory_space<vmem_shared>>) target_semaphore(%arg10 : memref<!tpu.dma_semaphore, #tpu.memory_space<semaphore_mem>>)
    %mul3A_8 = arith.constant 80 : i32
    %mul3A_9 = arith.muli %add3A, %mul3A_8 : i32
    %sub3A = arith.constant 2500 : i32
    %sub3A_10 = arith.subi %sub3A, %mul3A_9 : i32
    %min3A = arith.constant 80 : i32
    %min3A_11 = arith.minsi %min3A, %sub3A_10 : i32
    %min3A_12 = arith.constant 2420 : i32
    %min3A_13 = arith.minsi %mul3A_9, %min3A_12 : i32
    %sub3A_14 = arith.subi %mul3A_9, %min3A_13 : i32
    %dma_start3A_15 = arith.constant 0 : i32
    %dma_start3A_16 = arith.constant 0 : i32
    %dma_start3A_17 = tpu.memref_slice %arg3[%dma_start3A_15, %min3A_13, %dma_start3A_16] : memref<2x2500x128xi32, #tpu.memory_space<hbm>> -> memref<1x80x128xi32, #tpu.memory_space<hbm>>
    %dma_start3A_18 = tpu.memref_squeeze %dma_start3A_17 : memref<1x80x128xi32, #tpu.memory_space<hbm>> -> memref<80x128xi32, #tpu.memory_space<hbm>>
    %dma_start3A_19 = arith.constant 0 : i32
    %dma_start3A_20 = tpu.memref_slice %arg3[%dma_start3A_15, %min3A_13, %dma_start3A_19] : memref<2x2500x128xi32, #tpu.memory_space<hbm>> -> memref<1x80x128xi32, #tpu.memory_space<hbm>>
    %dma_start3A_21 = tpu.memref_squeeze %dma_start3A_20 : memref<1x80x128xi32, #tpu.memory_space<hbm>> -> memref<80x128xi32, #tpu.memory_space<hbm>>
    tpu.enqueue_dma source(%dma_start3A_21 : memref<80x128xi32, #tpu.memory_space<hbm>>) target(%arg5 : memref<80x128xi32, #tpu.memory_space<vmem>>) target_semaphore(%arg11 : memref<!tpu.dma_semaphore, #tpu.memory_space<semaphore_mem>>)
    %dma_start3A_22 = arith.constant 1 : i32
    %dma_start3A_23 = arith.constant 0 : i32
    %dma_start3A_24 = tpu.memref_slice %arg3[%dma_start3A_22, %min3A_13, %dma_start3A_23] : memref<2x2500x128xi32, #tpu.memory_space<hbm>> -> memref<1x80x128xi32, #tpu.memory_space<hbm>>
    %dma_start3A_25 = tpu.memref_squeeze %dma_start3A_24 : memref<1x80x128xi32, #tpu.memory_space<hbm>> -> memref<80x128xi32, #tpu.memory_space<hbm>>
    %dma_start3A_26 = arith.constant 0 : i32
    %dma_start3A_27 = tpu.memref_slice %arg3[%dma_start3A_22, %min3A_13, %dma_start3A_26] : memref<2x2500x128xi32, #tpu.memory_space<hbm>> -> memref<1x80x128xi32, #tpu.memory_space<hbm>>
    %dma_start3A_28 = tpu.memref_squeeze %dma_start3A_27 : memref<1x80x128xi32, #tpu.memory_space<hbm>> -> memref<80x128xi32, #tpu.memory_space<hbm>>
    tpu.enqueue_dma source(%dma_start3A_28 : memref<80x128xi32, #tpu.memory_space<hbm>>) target(%arg6 : memref<80x128xi32, #tpu.memory_space<vmem>>) target_semaphore(%arg11 : memref<!tpu.dma_semaphore, #tpu.memory_space<semaphore_mem>>)
    %broadcast_in_dim3A = arith.constant 0.000000e+00 : f32
    %broadcast_in_dim3A_29 = vector.broadcast %broadcast_in_dim3A : f32 to vector<16xf32>
    %scan3A = arith.constant 0 : i32
    %scan3A_30 = arith.constant 0 : i32
    %scan3A_31 = arith.constant 128 : i32
    %scan3A_32 = arith.addi %scan3A_30, %scan3A_31 : i32
    %scan3A_33 = arith.constant 1 : i32
    scf.for %scan3A_137 = %scan3A_30 to %scan3A_32 step %scan3A_33  : i32 {
      %swap3A = arith.index_cast %scan3A_137 : i32 to index
      %swap3A_138 = arith.constant 0 : index
      %swap3A_139 = tpu.vector_load %arg7[%swap3A, %swap3A_138] {strides = array<i32>} : memref<256x64xf32, #tpu.memory_space<vmem>>, vector<1x16xf32>,
      %swap3A_140 = vector.shape_cast %swap3A_139 : vector<1x16xf32> to vector<16xf32>
      %swap3A_141 = vector.shape_cast %broadcast_in_dim3A_29 : vector<16xf32> to vector<1x16xf32>
      tpu.vector_store %arg7[%swap3A, %swap3A_138], %swap3A_141 {strides = array<i32>} : memref<256x64xf32, #tpu.memory_space<vmem>>, vector<1x16xf32>,
      %swap3A_142 = arith.index_cast %scan3A_137 : i32 to index
      %swap3A_143 = arith.constant 16 : index
      %swap3A_144 = tpu.vector_load %arg7[%swap3A_142, %swap3A_143] {strides = array<i32>} : memref<256x64xf32, #tpu.memory_space<vmem>>, vector<1x16xf32>,
      %swap3A_145 = vector.shape_cast %swap3A_144 : vector<1x16xf32> to vector<16xf32>
      %swap3A_146 = vector.shape_cast %broadcast_in_dim3A_29 : vector<16xf32> to vector<1x16xf32>
      tpu.vector_store %arg7[%swap3A_142, %swap3A_143], %swap3A_146 {strides = array<i32>} : memref<256x64xf32, #tpu.memory_space<vmem>>, vector<1x16xf32>,
      %swap3A_147 = arith.index_cast %scan3A_137 : i32 to index
      %swap3A_148 = arith.constant 32 : index
      %swap3A_149 = tpu.vector_load %arg7[%swap3A_147, %swap3A_148] {strides = array<i32>} : memref<256x64xf32, #tpu.memory_space<vmem>>, vector<1x16xf32>,
      %swap3A_150 = vector.shape_cast %swap3A_149 : vector<1x16xf32> to vector<16xf32>
      %swap3A_151 = vector.shape_cast %broadcast_in_dim3A_29 : vector<16xf32> to vector<1x16xf32>
      tpu.vector_store %arg7[%swap3A_147, %swap3A_148], %swap3A_151 {strides = array<i32>} : memref<256x64xf32, #tpu.memory_space<vmem>>, vector<1x16xf32>,
      %swap3A_152 = arith.index_cast %scan3A_137 : i32 to index
      %swap3A_153 = arith.constant 48 : index
      %swap3A_154 = tpu.vector_load %arg7[%swap3A_152, %swap3A_153] {strides = array<i32>} : memref<256x64xf32, #tpu.memory_space<vmem>>, vector<1x16xf32>,
      %swap3A_155 = vector.shape_cast %swap3A_154 : vector<1x16xf32> to vector<16xf32>
      %swap3A_156 = vector.shape_cast %broadcast_in_dim3A_29 : vector<16xf32> to vector<1x16xf32>
      tpu.vector_store %arg7[%swap3A_152, %swap3A_153], %swap3A_156 {strides = array<i32>} : memref<256x64xf32, #tpu.memory_space<vmem>>, vector<1x16xf32>,
    }
    %scan3A_34 = arith.constant 128 : i32
    %mul3A_35 = arith.constant 626 : i32
    %mul3A_36 = arith.muli %arg1, %mul3A_35 : i32
    %add3A_37 = arith.constant 0 : i32
    %add3A_38 = arith.addi %mul3A_36, %add3A_37 : i32
    "tpu.region"() ({
      %run_scoped3A = tpu.sem_alloc : memref<!tpu.dma_semaphore, #tpu.memory_space<semaphore_mem>>
      %dma_start3A_137 = arith.constant 0 : i32
      %dma_start3A_138 = arith.constant 0 : i32
      %dma_start3A_139 = tpu.memref_slice %arg7[%dma_start3A_137, %dma_start3A_138] : memref<256x64xf32, #tpu.memory_space<vmem>> -> memref<128x64xf32, #tpu.memory_space<vmem>>
      %dma_start3A_140 = arith.constant 0 : i32
      %dma_start3A_141 = tpu.memref_slice %arg9[%add3A_38, %dma_start3A_140] : memref<10016x64xf32, #tpu.memory_space<vmem_shared>> -> memref<128x64xf32, #tpu.memory_space<vmem_shared>>
      %dma_start3A_142 = arith.constant 0 : i32
      %dma_start3A_143 = tpu.memref_slice %arg9[%add3A_38, %dma_start3A_142] : memref<10016x64xf32, #tpu.memory_space<vmem_shared>> -> memref<128x64xf32, #tpu.memory_space<vmem_shared>>
      %dma_start3A_144 = arith.constant 0 : i32
      %dma_start3A_145 = arith.constant 0 : i32
      %dma_start3A_146 = tpu.memref_slice %arg7[%dma_start3A_144, %dma_start3A_145] : memref<256x64xf32, #tpu.memory_space<vmem>> -> memref<128x64xf32, #tpu.memory_space<vmem>>
      tpu.enqueue_dma source(%dma_start3A_146 : memref<128x64xf32, #tpu.memory_space<vmem>>) target(%dma_start3A_143 : memref<128x64xf32, #tpu.memory_space<vmem_shared>>) target_semaphore(%run_scoped3A : memref<!tpu.dma_semaphore, #tpu.memory_space<semaphore_mem>>)
      %dma_wait3A_147 = arith.constant 0 : i32
      %dma_wait3A_148 = arith.constant 0 : i32
      %dma_wait3A_149 = tpu.memref_slice %arg7[%dma_wait3A_147, %dma_wait3A_148] : memref<256x64xf32, #tpu.memory_space<vmem>> -> memref<128x64xf32, #tpu.memory_space<vmem>>
      %dma_wait3A_150 = arith.constant 0 : i32
      %dma_wait3A_151 = tpu.memref_slice %arg9[%add3A_38, %dma_wait3A_150] : memref<10016x64xf32, #tpu.memory_space<vmem_shared>> -> memref<128x64xf32, #tpu.memory_space<vmem_shared>>
      %dma_wait3A_152 = arith.constant 0 : i32
      %dma_wait3A_153 = tpu.memref_slice %arg9[%add3A_38, %dma_wait3A_152] : memref<10016x64xf32, #tpu.memory_space<vmem_shared>> -> memref<128x64xf32, #tpu.memory_space<vmem_shared>>
      %dma_wait3A_154 = arith.constant 0 : i32
      %dma_wait3A_155 = arith.constant 0 : i32
      %dma_wait3A_156 = tpu.memref_slice %arg7[%dma_wait3A_154, %dma_wait3A_155] : memref<256x64xf32, #tpu.memory_space<vmem>> -> memref<128x64xf32, #tpu.memory_space<vmem>>
      tpu.wait_dma2 semaphore(%run_scoped3A : memref<!tpu.dma_semaphore, #tpu.memory_space<semaphore_mem>>) src(%dma_wait3A_156 : memref<128x64xf32, #tpu.memory_space<vmem>>) dst(%dma_wait3A_153 : memref<128x64xf32, #tpu.memory_space<vmem_shared>>)
      tpu.yield
    }) : () -> ()
    %mul3A_39 = arith.constant 626 : i32
    %mul3A_40 = arith.muli %arg1, %mul3A_39 : i32
    %add3A_41 = arith.constant 128 : i32
    %add3A_42 = arith.addi %mul3A_40, %add3A_41 : i32
    "tpu.region"() ({
      %run_scoped3A = tpu.sem_alloc : memref<!tpu.dma_semaphore, #tpu.memory_space<semaphore_mem>>
      %dma_start3A_137 = arith.constant 0 : i32
      %dma_start3A_138 = arith.constant 0 : i32
      %dma_start3A_139 = tpu.memref_slice %arg7[%dma_start3A_137, %dma_start3A_138] : memref<256x64xf32, #tpu.memory_space<vmem>> -> memref<128x64xf32, #tpu.memory_space<vmem>>
      %dma_start3A_140 = arith.constant 0 : i32
      %dma_start3A_141 = tpu.memref_slice %arg9[%add3A_42, %dma_start3A_140] : memref<10016x64xf32, #tpu.memory_space<vmem_shared>> -> memref<128x64xf32, #tpu.memory_space<vmem_shared>>
      %dma_start3A_142 = arith.constant 0 : i32
      %dma_start3A_143 = tpu.memref_slice %arg9[%add3A_42, %dma_start3A_142] : memref<10016x64xf32, #tpu.memory_space<vmem_shared>> -> memref<128x64xf32, #tpu.memory_space<vmem_shared>>
      %dma_start3A_144 = arith.constant 0 : i32
      %dma_start3A_145 = arith.constant 0 : i32
      %dma_start3A_146 = tpu.memref_slice %arg7[%dma_start3A_144, %dma_start3A_145] : memref<256x64xf32, #tpu.memory_space<vmem>> -> memref<128x64xf32, #tpu.memory_space<vmem>>
      tpu.enqueue_dma source(%dma_start3A_146 : memref<128x64xf32, #tpu.memory_space<vmem>>) target(%dma_start3A_143 : memref<128x64xf32, #tpu.memory_space<vmem_shared>>) target_semaphore(%run_scoped3A : memref<!tpu.dma_semaphore, #tpu.memory_space<semaphore_mem>>)
      %dma_wait3A_147 = arith.constant 0 : i32
      %dma_wait3A_148 = arith.constant 0 : i32
      %dma_wait3A_149 = tpu.memref_slice %arg7[%dma_wait3A_147, %dma_wait3A_148] : memref<256x64xf32, #tpu.memory_space<vmem>> -> memref<128x64xf32, #tpu.memory_space<vmem>>
      %dma_wait3A_150 = arith.constant 0 : i32
      %dma_wait3A_151 = tpu.memref_slice %arg9[%add3A_42, %dma_wait3A_150] : memref<10016x64xf32, #tpu.memory_space<vmem_shared>> -> memref<128x64xf32, #tpu.memory_space<vmem_shared>>
      %dma_wait3A_152 = arith.constant 0 : i32
      %dma_wait3A_153 = tpu.memref_slice %arg9[%add3A_42, %dma_wait3A_152] : memref<10016x64xf32, #tpu.memory_space<vmem_shared>> -> memref<128x64xf32, #tpu.memory_space<vmem_shared>>
      %dma_wait3A_154 = arith.constant 0 : i32
      %dma_wait3A_155 = arith.constant 0 : i32
      %dma_wait3A_156 = tpu.memref_slice %arg7[%dma_wait3A_154, %dma_wait3A_155] : memref<256x64xf32, #tpu.memory_space<vmem>> -> memref<128x64xf32, #tpu.memory_space<vmem>>
      tpu.wait_dma2 semaphore(%run_scoped3A : memref<!tpu.dma_semaphore, #tpu.memory_space<semaphore_mem>>) src(%dma_wait3A_156 : memref<128x64xf32, #tpu.memory_space<vmem>>) dst(%dma_wait3A_153 : memref<128x64xf32, #tpu.memory_space<vmem_shared>>)
      tpu.yield
    }) : () -> ()
    %mul3A_43 = arith.constant 626 : i32
    %mul3A_44 = arith.muli %arg1, %mul3A_43 : i32
    %add3A_45 = arith.constant 256 : i32
    %add3A_46 = arith.addi %mul3A_44, %add3A_45 : i32
    "tpu.region"() ({
      %run_scoped3A = tpu.sem_alloc : memref<!tpu.dma_semaphore, #tpu.memory_space<semaphore_mem>>
      %dma_start3A_137 = arith.constant 0 : i32
      %dma_start3A_138 = arith.constant 0 : i32
      %dma_start3A_139 = tpu.memref_slice %arg7[%dma_start3A_137, %dma_start3A_138] : memref<256x64xf32, #tpu.memory_space<vmem>> -> memref<128x64xf32, #tpu.memory_space<vmem>>
      %dma_start3A_140 = arith.constant 0 : i32
      %dma_start3A_141 = tpu.memref_slice %arg9[%add3A_46, %dma_start3A_140] : memref<10016x64xf32, #tpu.memory_space<vmem_shared>> -> memref<128x64xf32, #tpu.memory_space<vmem_shared>>
      %dma_start3A_142 = arith.constant 0 : i32
      %dma_start3A_143 = tpu.memref_slice %arg9[%add3A_46, %dma_start3A_142] : memref<10016x64xf32, #tpu.memory_space<vmem_shared>> -> memref<128x64xf32, #tpu.memory_space<vmem_shared>>
      %dma_start3A_144 = arith.constant 0 : i32
      %dma_start3A_145 = arith.constant 0 : i32
      %dma_start3A_146 = tpu.memref_slice %arg7[%dma_start3A_144, %dma_start3A_145] : memref<256x64xf32, #tpu.memory_space<vmem>> -> memref<128x64xf32, #tpu.memory_space<vmem>>
      tpu.enqueue_dma source(%dma_start3A_146 : memref<128x64xf32, #tpu.memory_space<vmem>>) target(%dma_start3A_143 : memref<128x64xf32, #tpu.memory_space<vmem_shared>>) target_semaphore(%run_scoped3A : memref<!tpu.dma_semaphore, #tpu.memory_space<semaphore_mem>>)
      %dma_wait3A_147 = arith.constant 0 : i32
      %dma_wait3A_148 = arith.constant 0 : i32
      %dma_wait3A_149 = tpu.memref_slice %arg7[%dma_wait3A_147, %dma_wait3A_148] : memref<256x64xf32, #tpu.memory_space<vmem>> -> memref<128x64xf32, #tpu.memory_space<vmem>>
      %dma_wait3A_150 = arith.constant 0 : i32
      %dma_wait3A_151 = tpu.memref_slice %arg9[%add3A_46, %dma_wait3A_150] : memref<10016x64xf32, #tpu.memory_space<vmem_shared>> -> memref<128x64xf32, #tpu.memory_space<vmem_shared>>
      %dma_wait3A_152 = arith.constant 0 : i32
      %dma_wait3A_153 = tpu.memref_slice %arg9[%add3A_46, %dma_wait3A_152] : memref<10016x64xf32, #tpu.memory_space<vmem_shared>> -> memref<128x64xf32, #tpu.memory_space<vmem_shared>>
      %dma_wait3A_154 = arith.constant 0 : i32
      %dma_wait3A_155 = arith.constant 0 : i32
      %dma_wait3A_156 = tpu.memref_slice %arg7[%dma_wait3A_154, %dma_wait3A_155] : memref<256x64xf32, #tpu.memory_space<vmem>> -> memref<128x64xf32, #tpu.memory_space<vmem>>
      tpu.wait_dma2 semaphore(%run_scoped3A : memref<!tpu.dma_semaphore, #tpu.memory_space<semaphore_mem>>) src(%dma_wait3A_156 : memref<128x64xf32, #tpu.memory_space<vmem>>) dst(%dma_wait3A_153 : memref<128x64xf32, #tpu.memory_space<vmem_shared>>)
      tpu.yield
    }) : () -> ()
    %mul3A_47 = arith.constant 626 : i32
    %mul3A_48 = arith.muli %arg1, %mul3A_47 : i32
    %add3A_49 = arith.constant 384 : i32
    %add3A_50 = arith.addi %mul3A_48, %add3A_49 : i32
    "tpu.region"() ({
      %run_scoped3A = tpu.sem_alloc : memref<!tpu.dma_semaphore, #tpu.memory_space<semaphore_mem>>
      %dma_start3A_137 = arith.constant 0 : i32
      %dma_start3A_138 = arith.constant 0 : i32
      %dma_start3A_139 = tpu.memref_slice %arg7[%dma_start3A_137, %dma_start3A_138] : memref<256x64xf32, #tpu.memory_space<vmem>> -> memref<128x64xf32, #tpu.memory_space<vmem>>
      %dma_start3A_140 = arith.constant 0 : i32
      %dma_start3A_141 = tpu.memref_slice %arg9[%add3A_50, %dma_start3A_140] : memref<10016x64xf32, #tpu.memory_space<vmem_shared>> -> memref<128x64xf32, #tpu.memory_space<vmem_shared>>
      %dma_start3A_142 = arith.constant 0 : i32
      %dma_start3A_143 = tpu.memref_slice %arg9[%add3A_50, %dma_start3A_142] : memref<10016x64xf32, #tpu.memory_space<vmem_shared>> -> memref<128x64xf32, #tpu.memory_space<vmem_shared>>
      %dma_start3A_144 = arith.constant 0 : i32
      %dma_start3A_145 = arith.constant 0 : i32
      %dma_start3A_146 = tpu.memref_slice %arg7[%dma_start3A_144, %dma_start3A_145] : memref<256x64xf32, #tpu.memory_space<vmem>> -> memref<128x64xf32, #tpu.memory_space<vmem>>
      tpu.enqueue_dma source(%dma_start3A_146 : memref<128x64xf32, #tpu.memory_space<vmem>>) target(%dma_start3A_143 : memref<128x64xf32, #tpu.memory_space<vmem_shared>>) target_semaphore(%run_scoped3A : memref<!tpu.dma_semaphore, #tpu.memory_space<semaphore_mem>>)
      %dma_wait3A_147 = arith.constant 0 : i32
      %dma_wait3A_148 = arith.constant 0 : i32
      %dma_wait3A_149 = tpu.memref_slice %arg7[%dma_wait3A_147, %dma_wait3A_148] : memref<256x64xf32, #tpu.memory_space<vmem>> -> memref<128x64xf32, #tpu.memory_space<vmem>>
      %dma_wait3A_150 = arith.constant 0 : i32
      %dma_wait3A_151 = tpu.memref_slice %arg9[%add3A_50, %dma_wait3A_150] : memref<10016x64xf32, #tpu.memory_space<vmem_shared>> -> memref<128x64xf32, #tpu.memory_space<vmem_shared>>
      %dma_wait3A_152 = arith.constant 0 : i32
      %dma_wait3A_153 = tpu.memref_slice %arg9[%add3A_50, %dma_wait3A_152] : memref<10016x64xf32, #tpu.memory_space<vmem_shared>> -> memref<128x64xf32, #tpu.memory_space<vmem_shared>>
      %dma_wait3A_154 = arith.constant 0 : i32
      %dma_wait3A_155 = arith.constant 0 : i32
      %dma_wait3A_156 = tpu.memref_slice %arg7[%dma_wait3A_154, %dma_wait3A_155] : memref<256x64xf32, #tpu.memory_space<vmem>> -> memref<128x64xf32, #tpu.memory_space<vmem>>
      tpu.wait_dma2 semaphore(%run_scoped3A : memref<!tpu.dma_semaphore, #tpu.memory_space<semaphore_mem>>) src(%dma_wait3A_156 : memref<128x64xf32, #tpu.memory_space<vmem>>) dst(%dma_wait3A_153 : memref<128x64xf32, #tpu.memory_space<vmem_shared>>)
      tpu.yield
    }) : () -> ()
    %mul3A_51 = arith.constant 626 : i32
    %mul3A_52 = arith.muli %arg1, %mul3A_51 : i32
    %add3A_53 = arith.constant 512 : i32
    %add3A_54 = arith.addi %mul3A_52, %add3A_53 : i32
    "tpu.region"() ({
      %run_scoped3A = tpu.sem_alloc : memref<!tpu.dma_semaphore, #tpu.memory_space<semaphore_mem>>
      %dma_start3A_137 = arith.constant 0 : i32
      %dma_start3A_138 = arith.constant 0 : i32
      %dma_start3A_139 = tpu.memref_slice %arg7[%dma_start3A_137, %dma_start3A_138] : memref<256x64xf32, #tpu.memory_space<vmem>> -> memref<114x64xf32, #tpu.memory_space<vmem>>
      %dma_start3A_140 = arith.constant 0 : i32
      %dma_start3A_141 = tpu.memref_slice %arg9[%add3A_54, %dma_start3A_140] : memref<10016x64xf32, #tpu.memory_space<vmem_shared>> -> memref<114x64xf32, #tpu.memory_space<vmem_shared>>
      %dma_start3A_142 = arith.constant 0 : i32
      %dma_start3A_143 = tpu.memref_slice %arg9[%add3A_54, %dma_start3A_142] : memref<10016x64xf32, #tpu.memory_space<vmem_shared>> -> memref<114x64xf32, #tpu.memory_space<vmem_shared>>
      %dma_start3A_144 = arith.constant 0 : i32
      %dma_start3A_145 = arith.constant 0 : i32
      %dma_start3A_146 = tpu.memref_slice %arg7[%dma_start3A_144, %dma_start3A_145] : memref<256x64xf32, #tpu.memory_space<vmem>> -> memref<114x64xf32, #tpu.memory_space<vmem>>
      tpu.enqueue_dma source(%dma_start3A_146 : memref<114x64xf32, #tpu.memory_space<vmem>>) target(%dma_start3A_143 : memref<114x64xf32, #tpu.memory_space<vmem_shared>>) target_semaphore(%run_scoped3A : memref<!tpu.dma_semaphore, #tpu.memory_space<semaphore_mem>>)
      %dma_wait3A_147 = arith.constant 0 : i32
      %dma_wait3A_148 = arith.constant 0 : i32
      %dma_wait3A_149 = tpu.memref_slice %arg7[%dma_wait3A_147, %dma_wait3A_148] : memref<256x64xf32, #tpu.memory_space<vmem>> -> memref<114x64xf32, #tpu.memory_space<vmem>>
      %dma_wait3A_150 = arith.constant 0 : i32
      %dma_wait3A_151 = tpu.memref_slice %arg9[%add3A_54, %dma_wait3A_150] : memref<10016x64xf32, #tpu.memory_space<vmem_shared>> -> memref<114x64xf32, #tpu.memory_space<vmem_shared>>
      %dma_wait3A_152 = arith.constant 0 : i32
      %dma_wait3A_153 = tpu.memref_slice %arg9[%add3A_54, %dma_wait3A_152] : memref<10016x64xf32, #tpu.memory_space<vmem_shared>> -> memref<114x64xf32, #tpu.memory_space<vmem_shared>>
      %dma_wait3A_154 = arith.constant 0 : i32
      %dma_wait3A_155 = arith.constant 0 : i32
      %dma_wait3A_156 = tpu.memref_slice %arg7[%dma_wait3A_154, %dma_wait3A_155] : memref<256x64xf32, #tpu.memory_space<vmem>> -> memref<114x64xf32, #tpu.memory_space<vmem>>
      tpu.wait_dma2 semaphore(%run_scoped3A : memref<!tpu.dma_semaphore, #tpu.memory_space<semaphore_mem>>) src(%dma_wait3A_156 : memref<114x64xf32, #tpu.memory_space<vmem>>) dst(%dma_wait3A_153 : memref<114x64xf32, #tpu.memory_space<vmem_shared>>)
      tpu.yield
    }) : () -> ()
    %mul3A_55 = arith.constant 625 : i32
    %mul3A_56 = arith.muli %arg1, %mul3A_55 : i32
    %mul3A_57 = arith.constant 625 : i32
    %mul3A_58 = arith.muli %arg1, %mul3A_57 : i32
    %dma_wait3A = arith.constant 0 : i32
    %dma_wait3A_59 = tpu.memref_slice %arg8[%mul3A_58, %dma_wait3A] : memref<10000x64xf32, #tpu.memory_space<vmem_shared>> -> memref<625x64xf32, #tpu.memory_space<vmem_shared>>
    %dma_wait3A_60 = arith.constant 0 : i32
    %dma_wait3A_61 = tpu.memref_slice %arg2[%mul3A_56, %dma_wait3A_60] : memref<10000x64xf32, #tpu.memory_space<hbm>> -> memref<625x64xf32, #tpu.memory_space<hbm>>
    tpu.wait_dma2 semaphore(%arg10 : memref<!tpu.dma_semaphore, #tpu.memory_space<semaphore_mem>>) src(%dma_wait3A_61 : memref<625x64xf32, #tpu.memory_space<hbm>>) dst(%dma_wait3A_59 : memref<625x64xf32, #tpu.memory_space<vmem_shared>>)
    %dma_wait3A_62 = arith.constant 0 : i32
    %dma_wait3A_63 = arith.constant 0 : i32
    %dma_wait3A_64 = tpu.memref_slice %arg3[%dma_wait3A_62, %min3A_13, %dma_wait3A_63] : memref<2x2500x128xi32, #tpu.memory_space<hbm>> -> memref<1x80x128xi32, #tpu.memory_space<hbm>>
    %dma_wait3A_65 = tpu.memref_squeeze %dma_wait3A_64 : memref<1x80x128xi32, #tpu.memory_space<hbm>> -> memref<80x128xi32, #tpu.memory_space<hbm>>
    %dma_wait3A_66 = arith.constant 0 : i32
    %dma_wait3A_67 = tpu.memref_slice %arg3[%dma_wait3A_62, %min3A_13, %dma_wait3A_66] : memref<2x2500x128xi32, #tpu.memory_space<hbm>> -> memref<1x80x128xi32, #tpu.memory_space<hbm>>
    %dma_wait3A_68 = tpu.memref_squeeze %dma_wait3A_67 : memref<1x80x128xi32, #tpu.memory_space<hbm>> -> memref<80x128xi32, #tpu.memory_space<hbm>>
    tpu.wait_dma2 semaphore(%arg11 : memref<!tpu.dma_semaphore, #tpu.memory_space<semaphore_mem>>) src(%dma_wait3A_68 : memref<80x128xi32, #tpu.memory_space<hbm>>) dst(%arg5 : memref<80x128xi32, #tpu.memory_space<vmem>>)
    %dma_wait3A_69 = arith.constant 1 : i32
    %dma_wait3A_70 = arith.constant 0 : i32
    %dma_wait3A_71 = tpu.memref_slice %arg3[%dma_wait3A_69, %min3A_13, %dma_wait3A_70] : memref<2x2500x128xi32, #tpu.memory_space<hbm>> -> memref<1x80x128xi32, #tpu.memory_space<hbm>>
    %dma_wait3A_72 = tpu.memref_squeeze %dma_wait3A_71 : memref<1x80x128xi32, #tpu.memory_space<hbm>> -> memref<80x128xi32, #tpu.memory_space<hbm>>
    %dma_wait3A_73 = arith.constant 0 : i32
    %dma_wait3A_74 = tpu.memref_slice %arg3[%dma_wait3A_69, %min3A_13, %dma_wait3A_73] : memref<2x2500x128xi32, #tpu.memory_space<hbm>> -> memref<1x80x128xi32, #tpu.memory_space<hbm>>
    %dma_wait3A_75 = tpu.memref_squeeze %dma_wait3A_74 : memref<1x80x128xi32, #tpu.memory_space<hbm>> -> memref<80x128xi32, #tpu.memory_space<hbm>>
    tpu.wait_dma2 semaphore(%arg11 : memref<!tpu.dma_semaphore, #tpu.memory_space<semaphore_mem>>) src(%dma_wait3A_75 : memref<80x128xi32, #tpu.memory_space<hbm>>) dst(%arg6 : memref<80x128xi32, #tpu.memory_space<vmem>>)
    %barrier3A = arith.constant 0 : index
    tpu.barrier barrier_id(%barrier3A)
    %add3A_76 = arith.constant 0 : i32
    %add3A_77 = arith.addi %add3A_76, %sub3A_14 : i32
    %dma_start3A_78 = arith.constant 0 : i32
    %dma_start3A_79 = arith.constant 0 : i32
    %dma_start3A_80 = tpu.memref_slice %arg7[%dma_start3A_78, %dma_start3A_79] : memref<256x64xf32, #tpu.memory_space<vmem>> -> memref<128x64xf32, #tpu.memory_space<vmem>>
    %dma_start3A_81 = arith.constant 0 : i32
    %dma_start3A_82 = tpu.memref_slice %arg5[%add3A_77, %dma_start3A_81] : memref<80x128xi32, #tpu.memory_space<vmem>> -> memref<1x128xi32, #tpu.memory_space<vmem>>
    %dma_start3A_83 = tpu.memref_squeeze %dma_start3A_82 : memref<1x128xi32, #tpu.memory_space<vmem>> -> memref<128xi32, #tpu.memory_space<vmem>>
    %dma_start3A_84 = arith.constant 0 : i32
    %dma_start3A_85 = arith.constant 0 : i32
    %dma_start3A_86 = tpu.memref_slice %arg8[%dma_start3A_84, %dma_start3A_85] : memref<10000x64xf32, #tpu.memory_space<vmem_shared>> -> memref<10000x64xf32, #tpu.memory_space<vmem_shared>>
    tpu.enqueue_indirect_dma source(%dma_start3A_86 : memref<10000x64xf32, #tpu.memory_space<vmem_shared>>) target(%dma_start3A_80 : memref<128x64xf32, #tpu.memory_space<vmem>>) offsets(%dma_start3A_83 : memref<128xi32, #tpu.memory_space<vmem>>) semaphore(%arg10 : memref<!tpu.dma_semaphore, #tpu.memory_space<semaphore_mem>>)
    %while3A = arith.constant 0 : i32
    %while3A_87 = arith.constant 0 : i32
    %while3A_88 = arith.subi %min3A_11, %while3A_87 : i32
    %while3A_89 = arith.addi %while3A_87, %while3A_88 : i32
    %while3A_90 = arith.constant 1 : i32
    %while3A_91 = arith.divsi %while3A_88, %while3A_90 : i32
    %while3A_92 = arith.muli %while3A_91, %while3A_90 : i32
    %while3A_93 = arith.addi %while3A_87, %while3A_92 : i32
    %while3A_94 = arith.constant 1 : i32
    scf.for %while3A_137 = %while3A_87 to %while3A_93 step %while3A_94  : i32 {
      %jit3A_138 = arith.constant 2 : i32
      %eq3A_139 = arith.constant 0 : i32
      %eq3A_140 = arith.cmpi eq, %jit3A_138, %eq3A_139 : i32
      %jit3A_141 = arith.constant 1 : i32
      %select_n3A_142 = arith.select %eq3A_140, %jit3A_141, %jit3A_138 : i32
      %rem3A_143 = arith.remsi %while3A_137, %select_n3A_142 : i32
      %ne3A_144 = arith.constant 0 : i32
      %ne3A_145 = arith.cmpi ne, %rem3A_143, %ne3A_144 : i32
      %lt3A_146 = arith.constant 0 : i32
      %lt3A_147 = arith.cmpi slt, %rem3A_143, %lt3A_146 : i32
      %lt3A_148 = arith.constant 0 : i32
      %lt3A_149 = arith.cmpi slt, %select_n3A_142, %lt3A_148 : i32
      %ne3A_150 = arith.xori %lt3A_147, %lt3A_149 : i1
      %and3A_151 = arith.andi %ne3A_150, %ne3A_145 : i1
      %add3A_152 = arith.addi %rem3A_143, %select_n3A_142 : i32
      %select_n3A_153 = arith.select %and3A_151, %add3A_152, %rem3A_143 : i32
      %mul3A_154 = arith.constant 128 : i32
      %mul3A_155 = arith.muli %select_n3A_153, %mul3A_154 : i32
      %dma_wait3A_156 = arith.constant 0 : i32
      %dma_wait3A_157 = arith.constant 0 : i32
      %dma_wait3A_158 = tpu.memref_slice %arg7[%mul3A_155, %dma_wait3A_157] : memref<256x64xf32, #tpu.memory_space<vmem>> -> memref<128x64xf32, #tpu.memory_space<vmem>>
      %dma_wait3A_159 = arith.constant 0 : i32
      %dma_wait3A_160 = tpu.memref_slice %arg5[%dma_wait3A_156, %dma_wait3A_159] : memref<80x128xi32, #tpu.memory_space<vmem>> -> memref<1x128xi32, #tpu.memory_space<vmem>>
      %dma_wait3A_161 = tpu.memref_squeeze %dma_wait3A_160 : memref<1x128xi32, #tpu.memory_space<vmem>> -> memref<128xi32, #tpu.memory_space<vmem>>
      %dma_wait3A_162 = arith.constant 0 : i32
      %dma_wait3A_163 = arith.constant 0 : i32
      %dma_wait3A_164 = tpu.memref_slice %arg8[%dma_wait3A_162, %dma_wait3A_163] : memref<10000x64xf32, #tpu.memory_space<vmem_shared>> -> memref<10000x64xf32, #tpu.memory_space<vmem_shared>>
      tpu.wait_indirect_dma semaphore(%arg10 : memref<!tpu.dma_semaphore, #tpu.memory_space<semaphore_mem>>) src(%dma_wait3A_164 : memref<10000x64xf32, #tpu.memory_space<vmem_shared>>) dst(%dma_wait3A_158 : memref<128x64xf32, #tpu.memory_space<vmem>>)
      %ge3A = arith.constant 1 : i32
      %ge3A_165 = arith.cmpi sge, %while3A_137, %ge3A : i32
      %convert_element_type3A = arith.extui %ge3A_165 : i1 to i32
      %cond3A = arith.constant 0 : i32
      %cond3A_166 = arith.cmpi ne, %convert_element_type3A, %cond3A : i32
      scf.if %cond3A_166 {
        %sub3A_200 = arith.constant 1 : i32
        %sub3A_201 = arith.subi %while3A_137, %sub3A_200 : i32
        %jit3A_202 = arith.constant 2 : i32
        %eq3A_203 = arith.constant 0 : i32
        %eq3A_204 = arith.cmpi eq, %jit3A_202, %eq3A_203 : i32
        %jit3A_205 = arith.constant 1 : i32
        %select_n3A_206 = arith.select %eq3A_204, %jit3A_205, %jit3A_202 : i32
        %rem3A_207 = arith.remsi %sub3A_201, %select_n3A_206 : i32
        %ne3A_208 = arith.constant 0 : i32
        %ne3A_209 = arith.cmpi ne, %rem3A_207, %ne3A_208 : i32
        %lt3A_210 = arith.constant 0 : i32
        %lt3A_211 = arith.cmpi slt, %rem3A_207, %lt3A_210 : i32
        %lt3A_212 = arith.constant 0 : i32
        %lt3A_213 = arith.cmpi slt, %select_n3A_206, %lt3A_212 : i32
        %ne3A_214 = arith.xori %lt3A_211, %lt3A_213 : i1
        %and3A_215 = arith.andi %ne3A_214, %ne3A_209 : i1
        %add3A_216 = arith.addi %rem3A_207, %select_n3A_206 : i32
        %select_n3A_217 = arith.select %and3A_215, %add3A_216, %rem3A_207 : i32
        %mul3A_218 = arith.constant 128 : i32
        %mul3A_219 = arith.muli %select_n3A_217, %mul3A_218 : i32
        %dma_wait3A_220 = arith.constant 0 : i32
        %dma_wait3A_221 = arith.constant 0 : i32
        %dma_wait3A_222 = tpu.memref_slice %arg7[%mul3A_219, %dma_wait3A_221] : memref<256x64xf32, #tpu.memory_space<vmem>> -> memref<128x64xf32, #tpu.memory_space<vmem>>
        %dma_wait3A_223 = arith.constant 0 : i32
        %dma_wait3A_224 = tpu.memref_slice %arg6[%dma_wait3A_220, %dma_wait3A_223] : memref<80x128xi32, #tpu.memory_space<vmem>> -> memref<1x128xi32, #tpu.memory_space<vmem>>
        %dma_wait3A_225 = tpu.memref_squeeze %dma_wait3A_224 : memref<1x128xi32, #tpu.memory_space<vmem>> -> memref<128xi32, #tpu.memory_space<vmem>>
        %dma_wait3A_226 = arith.constant 0 : i32
        %dma_wait3A_227 = arith.constant 0 : i32
        %dma_wait3A_228 = tpu.memref_slice %arg9[%dma_wait3A_226, %dma_wait3A_227] : memref<10016x64xf32, #tpu.memory_space<vmem_shared>> -> memref<10016x64xf32, #tpu.memory_space<vmem_shared>>
        tpu.wait_indirect_dma semaphore(%arg11 : memref<!tpu.dma_semaphore, #tpu.memory_space<semaphore_mem>>) src(%dma_wait3A_222 : memref<128x64xf32, #tpu.memory_space<vmem>>) dst(%dma_wait3A_228 : memref<10016x64xf32, #tpu.memory_space<vmem_shared>>)
      } else {
      }
      %add3A_167 = arith.constant 1 : i32
      %add3A_168 = arith.addi %while3A_137, %add3A_167 : i32
      %lt3A_169 = arith.cmpi slt, %add3A_168, %min3A_11 : i32
      %convert_element_type3A_170 = arith.extui %lt3A_169 : i1 to i32
      %cond3A_171 = arith.constant 0 : i32
      %cond3A_172 = arith.cmpi ne, %convert_element_type3A_170, %cond3A_171 : i32
      scf.if %cond3A_172 {
        %add3A_200 = arith.constant 1 : i32
        %add3A_201 = arith.addi %while3A_137, %add3A_200 : i32
        %add3A_202 = arith.addi %add3A_201, %sub3A_14 : i32
        %jit3A_203 = arith.constant 2 : i32
        %eq3A_204 = arith.constant 0 : i32
        %eq3A_205 = arith.cmpi eq, %jit3A_203, %eq3A_204 : i32
        %jit3A_206 = arith.constant 1 : i32
        %select_n3A_207 = arith.select %eq3A_205, %jit3A_206, %jit3A_203 : i32
        %rem3A_208 = arith.remsi %add3A_201, %select_n3A_207 : i32
        %ne3A_209 = arith.constant 0 : i32
        %ne3A_210 = arith.cmpi ne, %rem3A_208, %ne3A_209 : i32
        %lt3A_211 = arith.constant 0 : i32
        %lt3A_212 = arith.cmpi slt, %rem3A_208, %lt3A_211 : i32
        %lt3A_213 = arith.constant 0 : i32
        %lt3A_214 = arith.cmpi slt, %select_n3A_207, %lt3A_213 : i32
        %ne3A_215 = arith.xori %lt3A_212, %lt3A_214 : i1
        %and3A_216 = arith.andi %ne3A_215, %ne3A_210 : i1
        %add3A_217 = arith.addi %rem3A_208, %select_n3A_207 : i32
        %select_n3A_218 = arith.select %and3A_216, %add3A_217, %rem3A_208 : i32
        %mul3A_219 = arith.constant 128 : i32
        %mul3A_220 = arith.muli %select_n3A_218, %mul3A_219 : i32
        %dma_start3A_221 = arith.constant 0 : i32
        %dma_start3A_222 = tpu.memref_slice %arg7[%mul3A_220, %dma_start3A_221] : memref<256x64xf32, #tpu.memory_space<vmem>> -> memref<128x64xf32, #tpu.memory_space<vmem>>
        %dma_start3A_223 = arith.constant 0 : i32
        %dma_start3A_224 = tpu.memref_slice %arg5[%add3A_202, %dma_start3A_223] : memref<80x128xi32, #tpu.memory_space<vmem>> -> memref<1x128xi32, #tpu.memory_space<vmem>>
        %dma_start3A_225 = tpu.memref_squeeze %dma_start3A_224 : memref<1x128xi32, #tpu.memory_space<vmem>> -> memref<128xi32, #tpu.memory_space<vmem>>
        %dma_start3A_226 = arith.constant 0 : i32
        %dma_start3A_227 = arith.constant 0 : i32
        %dma_start3A_228 = tpu.memref_slice %arg8[%dma_start3A_226, %dma_start3A_227] : memref<10000x64xf32, #tpu.memory_space<vmem_shared>> -> memref<10000x64xf32, #tpu.memory_space<vmem_shared>>
        tpu.enqueue_indirect_dma source(%dma_start3A_228 : memref<10000x64xf32, #tpu.memory_space<vmem_shared>>) target(%dma_start3A_222 : memref<128x64xf32, #tpu.memory_space<vmem>>) offsets(%dma_start3A_225 : memref<128xi32, #tpu.memory_space<vmem>>) semaphore(%arg10 : memref<!tpu.dma_semaphore, #tpu.memory_space<semaphore_mem>>)
      } else {
      }
      %jit3A_173 = arith.constant 2 : i32
      %eq3A_174 = arith.constant 0 : i32
      %eq3A_175 = arith.cmpi eq, %jit3A_173, %eq3A_174 : i32
      %jit3A_176 = arith.constant 1 : i32
      %select_n3A_177 = arith.select %eq3A_175, %jit3A_176, %jit3A_173 : i32
      %rem3A_178 = arith.remsi %while3A_137, %select_n3A_177 : i32
      %ne3A_179 = arith.constant 0 : i32
      %ne3A_180 = arith.cmpi ne, %rem3A_178, %ne3A_179 : i32
      %lt3A_181 = arith.constant 0 : i32
      %lt3A_182 = arith.cmpi slt, %rem3A_178, %lt3A_181 : i32
      %lt3A_183 = arith.constant 0 : i32
      %lt3A_184 = arith.cmpi slt, %select_n3A_177, %lt3A_183 : i32
      %ne3A_185 = arith.xori %lt3A_182, %lt3A_184 : i1
      %and3A_186 = arith.andi %ne3A_185, %ne3A_180 : i1
      %add3A_187 = arith.addi %rem3A_178, %select_n3A_177 : i32
      %select_n3A_188 = arith.select %and3A_186, %add3A_187, %rem3A_178 : i32
      %mul3A_189 = arith.constant 128 : i32
      %mul3A_190 = arith.muli %select_n3A_188, %mul3A_189 : i32
      %add3A_191 = arith.addi %while3A_137, %sub3A_14 : i32
      %dma_start3A_192 = arith.constant 0 : i32
      %dma_start3A_193 = tpu.memref_slice %arg7[%mul3A_190, %dma_start3A_192] : memref<256x64xf32, #tpu.memory_space<vmem>> -> memref<128x64xf32, #tpu.memory_space<vmem>>
      %dma_start3A_194 = arith.constant 0 : i32
      %dma_start3A_195 = tpu.memref_slice %arg6[%add3A_191, %dma_start3A_194] : memref<80x128xi32, #tpu.memory_space<vmem>> -> memref<1x128xi32, #tpu.memory_space<vmem>>
      %dma_start3A_196 = tpu.memref_squeeze %dma_start3A_195 : memref<1x128xi32, #tpu.memory_space<vmem>> -> memref<128xi32, #tpu.memory_space<vmem>>
      %dma_start3A_197 = arith.constant 0 : i32
      %dma_start3A_198 = arith.constant 0 : i32
      %dma_start3A_199 = tpu.memref_slice %arg9[%dma_start3A_197, %dma_start3A_198] : memref<10016x64xf32, #tpu.memory_space<vmem_shared>> -> memref<10016x64xf32, #tpu.memory_space<vmem_shared>>
      tpu.enqueue_indirect_dma source(%dma_start3A_193 : memref<128x64xf32, #tpu.memory_space<vmem>>) target(%dma_start3A_199 : memref<10016x64xf32, #tpu.memory_space<vmem_shared>>) offsets(%dma_start3A_196 : memref<128xi32, #tpu.memory_space<vmem>>) semaphore(%arg11 : memref<!tpu.dma_semaphore, #tpu.memory_space<semaphore_mem>>) {add = true}
    }
    %while3A_95 = arith.constant 1 : i32
    scf.for %while3A_137 = %while3A_93 to %while3A_89 step %while3A_95  : i32 {
      %jit3A_138 = arith.constant 2 : i32
      %eq3A_139 = arith.constant 0 : i32
      %eq3A_140 = arith.cmpi eq, %jit3A_138, %eq3A_139 : i32
      %jit3A_141 = arith.constant 1 : i32
      %select_n3A_142 = arith.select %eq3A_140, %jit3A_141, %jit3A_138 : i32
      %rem3A_143 = arith.remsi %while3A_137, %select_n3A_142 : i32
      %ne3A_144 = arith.constant 0 : i32
      %ne3A_145 = arith.cmpi ne, %rem3A_143, %ne3A_144 : i32
      %lt3A_146 = arith.constant 0 : i32
      %lt3A_147 = arith.cmpi slt, %rem3A_143, %lt3A_146 : i32
      %lt3A_148 = arith.constant 0 : i32
      %lt3A_149 = arith.cmpi slt, %select_n3A_142, %lt3A_148 : i32
      %ne3A_150 = arith.xori %lt3A_147, %lt3A_149 : i1
      %and3A_151 = arith.andi %ne3A_150, %ne3A_145 : i1
      %add3A_152 = arith.addi %rem3A_143, %select_n3A_142 : i32
      %select_n3A_153 = arith.select %and3A_151, %add3A_152, %rem3A_143 : i32
      %mul3A_154 = arith.constant 128 : i32
      %mul3A_155 = arith.muli %select_n3A_153, %mul3A_154 : i32
      %dma_wait3A_156 = arith.constant 0 : i32
      %dma_wait3A_157 = arith.constant 0 : i32
      %dma_wait3A_158 = tpu.memref_slice %arg7[%mul3A_155, %dma_wait3A_157] : memref<256x64xf32, #tpu.memory_space<vmem>> -> memref<128x64xf32, #tpu.memory_space<vmem>>
      %dma_wait3A_159 = arith.constant 0 : i32
      %dma_wait3A_160 = tpu.memref_slice %arg5[%dma_wait3A_156, %dma_wait3A_159] : memref<80x128xi32, #tpu.memory_space<vmem>> -> memref<1x128xi32, #tpu.memory_space<vmem>>
      %dma_wait3A_161 = tpu.memref_squeeze %dma_wait3A_160 : memref<1x128xi32, #tpu.memory_space<vmem>> -> memref<128xi32, #tpu.memory_space<vmem>>
      %dma_wait3A_162 = arith.constant 0 : i32
      %dma_wait3A_163 = arith.constant 0 : i32
      %dma_wait3A_164 = tpu.memref_slice %arg8[%dma_wait3A_162, %dma_wait3A_163] : memref<10000x64xf32, #tpu.memory_space<vmem_shared>> -> memref<10000x64xf32, #tpu.memory_space<vmem_shared>>
      tpu.wait_indirect_dma semaphore(%arg10 : memref<!tpu.dma_semaphore, #tpu.memory_space<semaphore_mem>>) src(%dma_wait3A_164 : memref<10000x64xf32, #tpu.memory_space<vmem_shared>>) dst(%dma_wait3A_158 : memref<128x64xf32, #tpu.memory_space<vmem>>)
      %ge3A = arith.constant 1 : i32
      %ge3A_165 = arith.cmpi sge, %while3A_137, %ge3A : i32
      %convert_element_type3A = arith.extui %ge3A_165 : i1 to i32
      %cond3A = arith.constant 0 : i32
      %cond3A_166 = arith.cmpi ne, %convert_element_type3A, %cond3A : i32
      scf.if %cond3A_166 {
        %sub3A_200 = arith.constant 1 : i32
        %sub3A_201 = arith.subi %while3A_137, %sub3A_200 : i32
        %jit3A_202 = arith.constant 2 : i32
        %eq3A_203 = arith.constant 0 : i32
        %eq3A_204 = arith.cmpi eq, %jit3A_202, %eq3A_203 : i32
        %jit3A_205 = arith.constant 1 : i32
        %select_n3A_206 = arith.select %eq3A_204, %jit3A_205, %jit3A_202 : i32
        %rem3A_207 = arith.remsi %sub3A_201, %select_n3A_206 : i32
        %ne3A_208 = arith.constant 0 : i32
        %ne3A_209 = arith.cmpi ne, %rem3A_207, %ne3A_208 : i32
        %lt3A_210 = arith.constant 0 : i32
        %lt3A_211 = arith.cmpi slt, %rem3A_207, %lt3A_210 : i32
        %lt3A_212 = arith.constant 0 : i32
        %lt3A_213 = arith.cmpi slt, %select_n3A_206, %lt3A_212 : i32
        %ne3A_214 = arith.xori %lt3A_211, %lt3A_213 : i1
        %and3A_215 = arith.andi %ne3A_214, %ne3A_209 : i1
        %add3A_216 = arith.addi %rem3A_207, %select_n3A_206 : i32
        %select_n3A_217 = arith.select %and3A_215, %add3A_216, %rem3A_207 : i32
        %mul3A_218 = arith.constant 128 : i32
        %mul3A_219 = arith.muli %select_n3A_217, %mul3A_218 : i32
        %dma_wait3A_220 = arith.constant 0 : i32
        %dma_wait3A_221 = arith.constant 0 : i32
        %dma_wait3A_222 = tpu.memref_slice %arg7[%mul3A_219, %dma_wait3A_221] : memref<256x64xf32, #tpu.memory_space<vmem>> -> memref<128x64xf32, #tpu.memory_space<vmem>>
        %dma_wait3A_223 = arith.constant 0 : i32
        %dma_wait3A_224 = tpu.memref_slice %arg6[%dma_wait3A_220, %dma_wait3A_223] : memref<80x128xi32, #tpu.memory_space<vmem>> -> memref<1x128xi32, #tpu.memory_space<vmem>>
        %dma_wait3A_225 = tpu.memref_squeeze %dma_wait3A_224 : memref<1x128xi32, #tpu.memory_space<vmem>> -> memref<128xi32, #tpu.memory_space<vmem>>
        %dma_wait3A_226 = arith.constant 0 : i32
        %dma_wait3A_227 = arith.constant 0 : i32
        %dma_wait3A_228 = tpu.memref_slice %arg9[%dma_wait3A_226, %dma_wait3A_227] : memref<10016x64xf32, #tpu.memory_space<vmem_shared>> -> memref<10016x64xf32, #tpu.memory_space<vmem_shared>>
        tpu.wait_indirect_dma semaphore(%arg11 : memref<!tpu.dma_semaphore, #tpu.memory_space<semaphore_mem>>) src(%dma_wait3A_222 : memref<128x64xf32, #tpu.memory_space<vmem>>) dst(%dma_wait3A_228 : memref<10016x64xf32, #tpu.memory_space<vmem_shared>>)
      } else {
      }
      %add3A_167 = arith.constant 1 : i32
      %add3A_168 = arith.addi %while3A_137, %add3A_167 : i32
      %lt3A_169 = arith.cmpi slt, %add3A_168, %min3A_11 : i32
      %convert_element_type3A_170 = arith.extui %lt3A_169 : i1 to i32
      %cond3A_171 = arith.constant 0 : i32
      %cond3A_172 = arith.cmpi ne, %convert_element_type3A_170, %cond3A_171 : i32
      scf.if %cond3A_172 {
        %add3A_200 = arith.constant 1 : i32
        %add3A_201 = arith.addi %while3A_137, %add3A_200 : i32
        %add3A_202 = arith.addi %add3A_201, %sub3A_14 : i32
        %jit3A_203 = arith.constant 2 : i32
        %eq3A_204 = arith.constant 0 : i32
        %eq3A_205 = arith.cmpi eq, %jit3A_203, %eq3A_204 : i32
        %jit3A_206 = arith.constant 1 : i32
        %select_n3A_207 = arith.select %eq3A_205, %jit3A_206, %jit3A_203 : i32
        %rem3A_208 = arith.remsi %add3A_201, %select_n3A_207 : i32
        %ne3A_209 = arith.constant 0 : i32
        %ne3A_210 = arith.cmpi ne, %rem3A_208, %ne3A_209 : i32
        %lt3A_211 = arith.constant 0 : i32
        %lt3A_212 = arith.cmpi slt, %rem3A_208, %lt3A_211 : i32
        %lt3A_213 = arith.constant 0 : i32
        %lt3A_214 = arith.cmpi slt, %select_n3A_207, %lt3A_213 : i32
        %ne3A_215 = arith.xori %lt3A_212, %lt3A_214 : i1
        %and3A_216 = arith.andi %ne3A_215, %ne3A_210 : i1
        %add3A_217 = arith.addi %rem3A_208, %select_n3A_207 : i32
        %select_n3A_218 = arith.select %and3A_216, %add3A_217, %rem3A_208 : i32
        %mul3A_219 = arith.constant 128 : i32
        %mul3A_220 = arith.muli %select_n3A_218, %mul3A_219 : i32
        %dma_start3A_221 = arith.constant 0 : i32
        %dma_start3A_222 = tpu.memref_slice %arg7[%mul3A_220, %dma_start3A_221] : memref<256x64xf32, #tpu.memory_space<vmem>> -> memref<128x64xf32, #tpu.memory_space<vmem>>
        %dma_start3A_223 = arith.constant 0 : i32
        %dma_start3A_224 = tpu.memref_slice %arg5[%add3A_202, %dma_start3A_223] : memref<80x128xi32, #tpu.memory_space<vmem>> -> memref<1x128xi32, #tpu.memory_space<vmem>>
        %dma_start3A_225 = tpu.memref_squeeze %dma_start3A_224 : memref<1x128xi32, #tpu.memory_space<vmem>> -> memref<128xi32, #tpu.memory_space<vmem>>
        %dma_start3A_226 = arith.constant 0 : i32
        %dma_start3A_227 = arith.constant 0 : i32
        %dma_start3A_228 = tpu.memref_slice %arg8[%dma_start3A_226, %dma_start3A_227] : memref<10000x64xf32, #tpu.memory_space<vmem_shared>> -> memref<10000x64xf32, #tpu.memory_space<vmem_shared>>
        tpu.enqueue_indirect_dma source(%dma_start3A_228 : memref<10000x64xf32, #tpu.memory_space<vmem_shared>>) target(%dma_start3A_222 : memref<128x64xf32, #tpu.memory_space<vmem>>) offsets(%dma_start3A_225 : memref<128xi32, #tpu.memory_space<vmem>>) semaphore(%arg10 : memref<!tpu.dma_semaphore, #tpu.memory_space<semaphore_mem>>)
      } else {
      }
      %jit3A_173 = arith.constant 2 : i32
      %eq3A_174 = arith.constant 0 : i32
      %eq3A_175 = arith.cmpi eq, %jit3A_173, %eq3A_174 : i32
      %jit3A_176 = arith.constant 1 : i32
      %select_n3A_177 = arith.select %eq3A_175, %jit3A_176, %jit3A_173 : i32
      %rem3A_178 = arith.remsi %while3A_137, %select_n3A_177 : i32
      %ne3A_179 = arith.constant 0 : i32
      %ne3A_180 = arith.cmpi ne, %rem3A_178, %ne3A_179 : i32
      %lt3A_181 = arith.constant 0 : i32
      %lt3A_182 = arith.cmpi slt, %rem3A_178, %lt3A_181 : i32
      %lt3A_183 = arith.constant 0 : i32
      %lt3A_184 = arith.cmpi slt, %select_n3A_177, %lt3A_183 : i32
      %ne3A_185 = arith.xori %lt3A_182, %lt3A_184 : i1
      %and3A_186 = arith.andi %ne3A_185, %ne3A_180 : i1
      %add3A_187 = arith.addi %rem3A_178, %select_n3A_177 : i32
      %select_n3A_188 = arith.select %and3A_186, %add3A_187, %rem3A_178 : i32
      %mul3A_189 = arith.constant 128 : i32
      %mul3A_190 = arith.muli %select_n3A_188, %mul3A_189 : i32
      %add3A_191 = arith.addi %while3A_137, %sub3A_14 : i32
      %dma_start3A_192 = arith.constant 0 : i32
      %dma_start3A_193 = tpu.memref_slice %arg7[%mul3A_190, %dma_start3A_192] : memref<256x64xf32, #tpu.memory_space<vmem>> -> memref<128x64xf32, #tpu.memory_space<vmem>>
      %dma_start3A_194 = arith.constant 0 : i32
      %dma_start3A_195 = tpu.memref_slice %arg6[%add3A_191, %dma_start3A_194] : memref<80x128xi32, #tpu.memory_space<vmem>> -> memref<1x128xi32, #tpu.memory_space<vmem>>
      %dma_start3A_196 = tpu.memref_squeeze %dma_start3A_195 : memref<1x128xi32, #tpu.memory_space<vmem>> -> memref<128xi32, #tpu.memory_space<vmem>>
      %dma_start3A_197 = arith.constant 0 : i32
      %dma_start3A_198 = arith.constant 0 : i32
      %dma_start3A_199 = tpu.memref_slice %arg9[%dma_start3A_197, %dma_start3A_198] : memref<10016x64xf32, #tpu.memory_space<vmem_shared>> -> memref<10016x64xf32, #tpu.memory_space<vmem_shared>>
      tpu.enqueue_indirect_dma source(%dma_start3A_193 : memref<128x64xf32, #tpu.memory_space<vmem>>) target(%dma_start3A_199 : memref<10016x64xf32, #tpu.memory_space<vmem_shared>>) offsets(%dma_start3A_196 : memref<128xi32, #tpu.memory_space<vmem>>) semaphore(%arg11 : memref<!tpu.dma_semaphore, #tpu.memory_space<semaphore_mem>>) {add = true}
    }
    %sub3A_96 = arith.constant 1 : i32
    %sub3A_97 = arith.subi %min3A_11, %sub3A_96 : i32
    %jit3A = arith.constant 2 : i32
    %eq3A = arith.constant 0 : i32
    %eq3A_98 = arith.cmpi eq, %jit3A, %eq3A : i32
    %jit3A_99 = arith.constant 1 : i32
    %select_n3A = arith.select %eq3A_98, %jit3A_99, %jit3A : i32
    %rem3A = arith.remsi %sub3A_97, %select_n3A : i32
    %ne3A = arith.constant 0 : i32
    %ne3A_100 = arith.cmpi ne, %rem3A, %ne3A : i32
    %lt3A = arith.constant 0 : i32
    %lt3A_101 = arith.cmpi slt, %rem3A, %lt3A : i32
    %lt3A_102 = arith.constant 0 : i32
    %lt3A_103 = arith.cmpi slt, %select_n3A, %lt3A_102 : i32
    %ne3A_104 = arith.xori %lt3A_101, %lt3A_103 : i1
    %and3A = arith.andi %ne3A_104, %ne3A_100 : i1
    %add3A_105 = arith.addi %rem3A, %select_n3A : i32
    %select_n3A_106 = arith.select %and3A, %add3A_105, %rem3A : i32
    %mul3A_107 = arith.constant 128 : i32
    %mul3A_108 = arith.muli %select_n3A_106, %mul3A_107 : i32
    %dma_wait3A_109 = arith.constant 0 : i32
    %dma_wait3A_110 = arith.constant 0 : i32
    %dma_wait3A_111 = tpu.memref_slice %arg7[%mul3A_108, %dma_wait3A_110] : memref<256x64xf32, #tpu.memory_space<vmem>> -> memref<128x64xf32, #tpu.memory_space<vmem>>
    %dma_wait3A_112 = arith.constant 0 : i32
    %dma_wait3A_113 = tpu.memref_slice %arg6[%dma_wait3A_109, %dma_wait3A_112] : memref<80x128xi32, #tpu.memory_space<vmem>> -> memref<1x128xi32, #tpu.memory_space<vmem>>
    %dma_wait3A_114 = tpu.memref_squeeze %dma_wait3A_113 : memref<1x128xi32, #tpu.memory_space<vmem>> -> memref<128xi32, #tpu.memory_space<vmem>>
    %dma_wait3A_115 = arith.constant 0 : i32
    %dma_wait3A_116 = arith.constant 0 : i32
    %dma_wait3A_117 = tpu.memref_slice %arg9[%dma_wait3A_115, %dma_wait3A_116] : memref<10016x64xf32, #tpu.memory_space<vmem_shared>> -> memref<10016x64xf32, #tpu.memory_space<vmem_shared>>
    tpu.wait_indirect_dma semaphore(%arg11 : memref<!tpu.dma_semaphore, #tpu.memory_space<semaphore_mem>>) src(%dma_wait3A_111 : memref<128x64xf32, #tpu.memory_space<vmem>>) dst(%dma_wait3A_117 : memref<10016x64xf32, #tpu.memory_space<vmem_shared>>)
    %barrier3A_118 = arith.constant 0 : index
    tpu.barrier barrier_id(%barrier3A_118)
    %mul3A_119 = arith.constant 626 : i32
    %mul3A_120 = arith.muli %arg1, %mul3A_119 : i32
    %mul3A_121 = arith.constant 626 : i32
    %mul3A_122 = arith.muli %arg1, %mul3A_121 : i32
    %dma_start3A_123 = arith.constant 0 : i32
    %dma_start3A_124 = tpu.memref_slice %arg4[%arg0, %mul3A_122, %dma_start3A_123] : memref<2x10016x64xf32, #tpu.memory_space<hbm>> -> memref<1x626x64xf32, #tpu.memory_space<hbm>>
    %dma_start3A_125 = tpu.memref_squeeze %dma_start3A_124 : memref<1x626x64xf32, #tpu.memory_space<hbm>> -> memref<626x64xf32, #tpu.memory_space<hbm>>
    %dma_start3A_126 = arith.constant 0 : i32
    %dma_start3A_127 = tpu.memref_slice %arg9[%mul3A_120, %dma_start3A_126] : memref<10016x64xf32, #tpu.memory_space<vmem_shared>> -> memref<626x64xf32, #tpu.memory_space<vmem_shared>>
    tpu.enqueue_dma source(%dma_start3A_127 : memref<626x64xf32, #tpu.memory_space<vmem_shared>>) target(%dma_start3A_125 : memref<626x64xf32, #tpu.memory_space<hbm>>) target_semaphore(%arg10 : memref<!tpu.dma_semaphore, #tpu.memory_space<semaphore_mem>>)
    %mul3A_128 = arith.constant 626 : i32
    %mul3A_129 = arith.muli %arg1, %mul3A_128 : i32
    %mul3A_130 = arith.constant 626 : i32
    %mul3A_131 = arith.muli %arg1, %mul3A_130 : i32
    %dma_wait3A_132 = arith.constant 0 : i32
    %dma_wait3A_133 = tpu.memref_slice %arg4[%arg0, %mul3A_131, %dma_wait3A_132] : memref<2x10016x64xf32, #tpu.memory_space<hbm>> -> memref<1x626x64xf32, #tpu.memory_space<hbm>>
    %dma_wait3A_134 = tpu.memref_squeeze %dma_wait3A_133 : memref<1x626x64xf32, #tpu.memory_space<hbm>> -> memref<626x64xf32, #tpu.memory_space<hbm>>
    %dma_wait3A_135 = arith.constant 0 : i32
    %dma_wait3A_136 = tpu.memref_slice %arg9[%mul3A_129, %dma_wait3A_135] : memref<10016x64xf32, #tpu.memory_space<vmem_shared>> -> memref<626x64xf32, #tpu.memory_space<vmem_shared>>
    tpu.wait_dma2 semaphore(%arg10 : memref<!tpu.dma_semaphore, #tpu.memory_space<semaphore_mem>>) src(%dma_wait3A_136 : memref<626x64xf32, #tpu.memory_space<vmem_shared>>) dst(%dma_wait3A_134 : memref<626x64xf32, #tpu.memory_space<hbm>>)
    return
  }
}

module attributes {stable_mosaic.version = 14 : i64} {
  func.func @_body_a(%arg0: i32, %arg1: memref<2000x128xf32, #tpu.memory_space<vmem>>, %arg2: memref<128x64xf32, #tpu.memory_space<vmem>>, %arg3: memref<2000x64xf32, #tpu.memory_space<vmem>>) attributes {dimension_semantics = [#tpu.dimension_semantics<arbitrary>], iteration_bounds = array<i64: 5>, scalar_prefetch = 0 : i64, scratch_operands = 0 : i64, tpu.core_type = #tpu.core_type<tc>, window_params = [{transform_indices = @transform_0, window_bounds = array<i64: 2000, 128>}, {pipeline_mode = #tpu.pipeline_mode<synchronous>, transform_indices = @transform_1, window_bounds = array<i64: 128, 64>}, {transform_indices = @transform_2, window_bounds = array<i64: 2000, 64>}]} {
    %get3A = arith.constant 0 : index
    %get3A_0 = arith.constant 0 : index
    %get3A_1 = vector.load %arg1[%get3A, %get3A_0] : memref<2000x128xf32, #tpu.memory_space<vmem>>, vector<2000x128xf32>
    %get3A_2 = arith.constant 0 : index
    %get3A_3 = arith.constant 0 : index
    %get3A_4 = vector.load %arg2[%get3A_2, %get3A_3] : memref<128x64xf32, #tpu.memory_space<vmem>>, vector<128x64xf32>
    %dot_general3A = arith.constant dense<0.000000e+00> : vector<2000x64xf32>
    %dot_general3A_5 = tpu.matmul %get3A_1, %get3A_4, %dot_general3A {dimension_numbers = #tpu.dot_dimension_numbers<[1], [0], [0], [1], [0, 0, 1, 1], [], []>, transpose_lhs_hint = false} : vector<2000x128xf32>, vector<128x64xf32>, vector<2000x64xf32> -> vector<2000x64xf32>
    %swap3A = arith.constant 0 : index
    %swap3A_6 = arith.constant 0 : index
    %swap3A_7 = vector.load %arg3[%swap3A, %swap3A_6] : memref<2000x64xf32, #tpu.memory_space<vmem>>, vector<2000x64xf32>
    tpu.vector_store %arg3[%swap3A, %swap3A_6], %dot_general3A_5 {strides = array<i32>} : memref<2000x64xf32, #tpu.memory_space<vmem>>, vector<2000x64xf32>,
    return
  }
  func.func @transform_0(%arg0: i32) -> (i32, i32) {
    %c0_i32 = arith.constant 0 : i32
    %c0_i32_0 = arith.constant 0 : i32
    return %arg0, %c0_i32 : i32, i32
  }
  func.func @transform_1(%arg0: i32) -> (i32, i32) {
    %c0_i32 = arith.constant 0 : i32
    %c0_i32_0 = arith.constant 0 : i32
    %c0_i32_1 = arith.constant 0 : i32
    return %c0_i32, %c0_i32_0 : i32, i32
  }
  func.func @transform_2(%arg0: i32) -> (i32, i32) {
    %c0_i32 = arith.constant 0 : i32
    %c0_i32_0 = arith.constant 0 : i32
    return %arg0, %c0_i32 : i32, i32
  }
}

module attributes {stable_mosaic.version = 14 : i64} {
  func.func @_body_c(%arg0: i32, %arg1: memref<2x2000x64xf32, #tpu.memory_space<vmem>>, %arg2: memref<2x2000x16xf32, #tpu.memory_space<vmem>>, %arg3: memref<2000x128xf32, #tpu.memory_space<vmem>>, %arg4: memref<128x64xf32, #tpu.memory_space<vmem>>, %arg5: memref<1x64xf32, #tpu.memory_space<vmem>>, %arg6: memref<64x64xf32, #tpu.memory_space<vmem>>, %arg7: memref<64x64xf32, #tpu.memory_space<vmem>>, %arg8: memref<1x64xf32, #tpu.memory_space<vmem>>, %arg9: memref<2000x64xf32, #tpu.memory_space<vmem>>, %arg10: memref<2000x64xf32, #tpu.memory_space<vmem>>, %arg11: memref<2000x1xf32, #tpu.memory_space<vmem>>) attributes {dimension_semantics = [#tpu.dimension_semantics<arbitrary>], iteration_bounds = array<i64: 5>, scalar_prefetch = 0 : i64, scratch_operands = 0 : i64, tpu.core_type = #tpu.core_type<tc>, window_params = [{transform_indices = @transform_0, window_bounds = array<i64: 2, 2000, 64>}, {transform_indices = @transform_1, window_bounds = array<i64: 2, 2000, 16>}, {transform_indices = @transform_2, window_bounds = array<i64: 2000, 128>}, {pipeline_mode = #tpu.pipeline_mode<synchronous>, transform_indices = @transform_3, window_bounds = array<i64: 128, 64>}, {pipeline_mode = #tpu.pipeline_mode<synchronous>, transform_indices = @transform_4, window_bounds = array<i64: 1, 64>}, {pipeline_mode = #tpu.pipeline_mode<synchronous>, transform_indices = @transform_5, window_bounds = array<i64: 64, 64>}, {pipeline_mode = #tpu.pipeline_mode<synchronous>, transform_indices = @transform_6, window_bounds = array<i64: 64, 64>}, {pipeline_mode = #tpu.pipeline_mode<synchronous>, transform_indices = @transform_7, window_bounds = array<i64: 1, 64>}, {transform_indices = @transform_8, window_bounds = array<i64: 2000, 64>}, {transform_indices = @transform_9, window_bounds = array<i64: 2000, 64>}, {transform_indices = @transform_10, window_bounds = array<i64: 2000, 1>}]} {
    %get3A = arith.constant 0 : index
    %get3A_0 = arith.constant 0 : index
    %get3A_1 = arith.constant 0 : index
    %get3A_2 = vector.load %arg1[%get3A, %get3A_0, %get3A_1] : memref<2x2000x64xf32, #tpu.memory_space<vmem>>, vector<1x2000x64xf32>
    %get3A_3 = vector.shape_cast %get3A_2 : vector<1x2000x64xf32> to vector<2000x64xf32>
    %get3A_4 = arith.constant 1 : index
    %get3A_5 = arith.constant 0 : index
    %get3A_6 = arith.constant 0 : index
    %get3A_7 = vector.load %arg1[%get3A_4, %get3A_5, %get3A_6] : memref<2x2000x64xf32, #tpu.memory_space<vmem>>, vector<1x2000x64xf32>
    %get3A_8 = vector.shape_cast %get3A_7 : vector<1x2000x64xf32> to vector<2000x64xf32>
    %add3A = arith.addf %get3A_3, %get3A_8 : vector<2000x64xf32>
    %get3A_9 = arith.constant 0 : index
    %get3A_10 = arith.constant 0 : index
    %get3A_11 = arith.constant 0 : index
    %get3A_12 = vector.load %arg2[%get3A_9, %get3A_10, %get3A_11] : memref<2x2000x16xf32, #tpu.memory_space<vmem>>, vector<1x2000x16xf32>
    %get3A_13 = vector.shape_cast %get3A_12 : vector<1x2000x16xf32> to vector<2000x16xf32>
    %get3A_14 = arith.constant 1 : index
    %get3A_15 = arith.constant 0 : index
    %get3A_16 = arith.constant 0 : index
    %get3A_17 = vector.load %arg2[%get3A_14, %get3A_15, %get3A_16] : memref<2x2000x16xf32, #tpu.memory_space<vmem>>, vector<1x2000x16xf32>
    %get3A_18 = vector.shape_cast %get3A_17 : vector<1x2000x16xf32> to vector<2000x16xf32>
    %add3A_19 = arith.addf %get3A_13, %get3A_18 : vector<2000x16xf32>
    %reduce_sum3A = arith.constant dense<0.000000e+00> : vector<2000xf32>
    %reduce_sum3A_20 = vector.multi_reduction <add>, %add3A_19, %reduce_sum3A [1] : vector<2000x16xf32> to vector<2000xf32>
    %broadcast_in_dim3A = vector.shape_cast %reduce_sum3A_20 : vector<2000xf32> to vector<2000x1xf32>
    %mul3A = arith.constant 6.250000e-02 : f32
    %mul3A_21 = vector.broadcast %mul3A : f32 to vector<2000x1xf32>
    %mul3A_22 = arith.mulf %broadcast_in_dim3A, %mul3A_21 : vector<2000x1xf32>
    %max3A = arith.constant 1.000000e+00 : f32
    %max3A_23 = vector.broadcast %max3A : f32 to vector<2000x1xf32>
    %max3A_24 = arith.maximumf %mul3A_22, %max3A_23 : vector<2000x1xf32>
    %div3A = arith.constant 1.000000e+00 : f32
    %div3A_25 = vector.broadcast %div3A : f32 to vector<2000x1xf32>
    %div3A_26 = arith.divf %div3A_25, %max3A_24 : vector<2000x1xf32>
    %get3A_27 = arith.constant 0 : index
    %get3A_28 = arith.constant 0 : index
    %get3A_29 = vector.load %arg3[%get3A_27, %get3A_28] : memref<2000x128xf32, #tpu.memory_space<vmem>>, vector<2000x128xf32>
    %get3A_30 = arith.constant 0 : index
    %get3A_31 = arith.constant 0 : index
    %get3A_32 = vector.load %arg4[%get3A_30, %get3A_31] : memref<128x64xf32, #tpu.memory_space<vmem>>, vector<128x64xf32>
    %dot_general3A = arith.constant dense<0.000000e+00> : vector<2000x64xf32>
    %dot_general3A_33 = tpu.matmul %get3A_29, %get3A_32, %dot_general3A {dimension_numbers = #tpu.dot_dimension_numbers<[1], [0], [0], [1], [0, 0, 1, 1], [], []>, transpose_lhs_hint = false} : vector<2000x128xf32>, vector<128x64xf32>, vector<2000x64xf32> -> vector<2000x64xf32>
    %get3A_34 = arith.constant 0 : index
    %get3A_35 = arith.constant 0 : index
    %get3A_36 = vector.load %arg5[%get3A_34, %get3A_35] : memref<1x64xf32, #tpu.memory_space<vmem>>, vector<1x64xf32>
    %add3A_37 = vector.broadcast %get3A_36 : vector<1x64xf32> to vector<2000x64xf32>
    %add3A_38 = arith.addf %dot_general3A_33, %add3A_37 : vector<2000x64xf32>
    %mul3A_39 = vector.broadcast %div3A_26 : vector<2000x1xf32> to vector<2000x64xf32>
    %mul3A_40 = arith.mulf %add3A, %mul3A_39 : vector<2000x64xf32>
    %add3A_41 = arith.addf %mul3A_40, %add3A_38 : vector<2000x64xf32>
    %max3A_42 = arith.constant 0.000000e+00 : f32
    %max3A_43 = vector.broadcast %max3A_42 : f32 to vector<2000x64xf32>
    %max3A_44 = arith.maximumf %add3A_41, %max3A_43 : vector<2000x64xf32>
    %get3A_45 = arith.constant 0 : index
    %get3A_46 = arith.constant 0 : index
    %get3A_47 = vector.load %arg6[%get3A_45, %get3A_46] : memref<64x64xf32, #tpu.memory_space<vmem>>, vector<64x64xf32>
    %dot_general3A_48 = arith.constant dense<0.000000e+00> : vector<2000x64xf32>
    %dot_general3A_49 = tpu.matmul %max3A_44, %get3A_47, %dot_general3A_48 {dimension_numbers = #tpu.dot_dimension_numbers<[1], [0], [0], [1], [0, 0, 1, 1], [], []>, transpose_lhs_hint = false} : vector<2000x64xf32>, vector<64x64xf32>, vector<2000x64xf32> -> vector<2000x64xf32>
    %swap3A = arith.constant 0 : index
    %swap3A_50 = arith.constant 0 : index
    %swap3A_51 = vector.load %arg9[%swap3A, %swap3A_50] : memref<2000x64xf32, #tpu.memory_space<vmem>>, vector<2000x64xf32>
    tpu.vector_store %arg9[%swap3A, %swap3A_50], %dot_general3A_49 {strides = array<i32>} : memref<2000x64xf32, #tpu.memory_space<vmem>>, vector<2000x64xf32>,
    %get3A_52 = arith.constant 0 : index
    %get3A_53 = arith.constant 0 : index
    %get3A_54 = vector.load %arg7[%get3A_52, %get3A_53] : memref<64x64xf32, #tpu.memory_space<vmem>>, vector<64x64xf32>
    %dot_general3A_55 = arith.constant dense<0.000000e+00> : vector<2000x64xf32>
    %dot_general3A_56 = tpu.matmul %max3A_44, %get3A_54, %dot_general3A_55 {dimension_numbers = #tpu.dot_dimension_numbers<[1], [0], [0], [1], [0, 0, 1, 1], [], []>, transpose_lhs_hint = false} : vector<2000x64xf32>, vector<64x64xf32>, vector<2000x64xf32> -> vector<2000x64xf32>
    %get3A_57 = arith.constant 0 : index
    %get3A_58 = arith.constant 0 : index
    %get3A_59 = vector.load %arg8[%get3A_57, %get3A_58] : memref<1x64xf32, #tpu.memory_space<vmem>>, vector<1x64xf32>
    %add3A_60 = vector.broadcast %get3A_59 : vector<1x64xf32> to vector<2000x64xf32>
    %add3A_61 = arith.addf %dot_general3A_56, %add3A_60 : vector<2000x64xf32>
    %swap3A_62 = arith.constant 0 : index
    %swap3A_63 = arith.constant 0 : index
    %swap3A_64 = vector.load %arg10[%swap3A_62, %swap3A_63] : memref<2000x64xf32, #tpu.memory_space<vmem>>, vector<2000x64xf32>
    tpu.vector_store %arg10[%swap3A_62, %swap3A_63], %add3A_61 {strides = array<i32>} : memref<2000x64xf32, #tpu.memory_space<vmem>>, vector<2000x64xf32>,
    %swap3A_65 = arith.constant 0 : index
    %swap3A_66 = arith.constant 0 : index
    %swap3A_67 = vector.load %arg11[%swap3A_65, %swap3A_66] : memref<2000x1xf32, #tpu.memory_space<vmem>>, vector<2000x1xf32>
    tpu.vector_store %arg11[%swap3A_65, %swap3A_66], %div3A_26 {strides = array<i32>} : memref<2000x1xf32, #tpu.memory_space<vmem>>, vector<2000x1xf32>,
    return
  }
  func.func @transform_0(%arg0: i32) -> (i32, i32, i32) {
    %c0_i32 = arith.constant 0 : i32
    %c0_i32_0 = arith.constant 0 : i32
    %c0_i32_1 = arith.constant 0 : i32
    return %c0_i32, %arg0, %c0_i32_0 : i32, i32, i32
  }
  func.func @transform_1(%arg0: i32) -> (i32, i32, i32) {
    %c0_i32 = arith.constant 0 : i32
    %c0_i32_0 = arith.constant 0 : i32
    %c0_i32_1 = arith.constant 0 : i32
    return %c0_i32, %arg0, %c0_i32_0 : i32, i32, i32
  }
  func.func @transform_2(%arg0: i32) -> (i32, i32) {
    %c0_i32 = arith.constant 0 : i32
    %c0_i32_0 = arith.constant 0 : i32
    return %arg0, %c0_i32 : i32, i32
  }
  func.func @transform_3(%arg0: i32) -> (i32, i32) {
    %c0_i32 = arith.constant 0 : i32
    %c0_i32_0 = arith.constant 0 : i32
    %c0_i32_1 = arith.constant 0 : i32
    return %c0_i32, %c0_i32_0 : i32, i32
  }
  func.func @transform_4(%arg0: i32) -> (i32, i32) {
    %c0_i32 = arith.constant 0 : i32
    %c0_i32_0 = arith.constant 0 : i32
    %c0_i32_1 = arith.constant 0 : i32
    return %c0_i32, %c0_i32_0 : i32, i32
  }
  func.func @transform_5(%arg0: i32) -> (i32, i32) {
    %c0_i32 = arith.constant 0 : i32
    %c0_i32_0 = arith.constant 0 : i32
    %c0_i32_1 = arith.constant 0 : i32
    return %c0_i32, %c0_i32_0 : i32, i32
  }
  func.func @transform_6(%arg0: i32) -> (i32, i32) {
    %c0_i32 = arith.constant 0 : i32
    %c0_i32_0 = arith.constant 0 : i32
    %c0_i32_1 = arith.constant 0 : i32
    return %c0_i32, %c0_i32_0 : i32, i32
  }
  func.func @transform_7(%arg0: i32) -> (i32, i32) {
    %c0_i32 = arith.constant 0 : i32
    %c0_i32_0 = arith.constant 0 : i32
    %c0_i32_1 = arith.constant 0 : i32
    return %c0_i32, %c0_i32_0 : i32, i32
  }
  func.func @transform_8(%arg0: i32) -> (i32, i32) {
    %c0_i32 = arith.constant 0 : i32
    %c0_i32_0 = arith.constant 0 : i32
    return %arg0, %c0_i32 : i32, i32
  }
  func.func @transform_9(%arg0: i32) -> (i32, i32) {
    %c0_i32 = arith.constant 0 : i32
    %c0_i32_0 = arith.constant 0 : i32
    return %arg0, %c0_i32 : i32, i32
  }
  func.func @transform_10(%arg0: i32) -> (i32, i32) {
    %c0_i32 = arith.constant 0 : i32
    %c0_i32_0 = arith.constant 0 : i32
    return %arg0, %c0_i32 : i32, i32
  }
}

module attributes {stable_mosaic.version = 14 : i64} {
  func.func @_body_d(%arg0: i32, %arg1: memref<2x2000x64xf32, #tpu.memory_space<vmem>>, %arg2: memref<2000x64xf32, #tpu.memory_space<vmem>>, %arg3: memref<2000x1xf32, #tpu.memory_space<vmem>>, %arg4: memref<64x3xf32, #tpu.memory_space<vmem>>, %arg5: memref<1x3xf32, #tpu.memory_space<vmem>>, %arg6: memref<2000x3xf32, #tpu.memory_space<vmem>>) attributes {dimension_semantics = [#tpu.dimension_semantics<arbitrary>], iteration_bounds = array<i64: 5>, scalar_prefetch = 0 : i64, scratch_operands = 0 : i64, tpu.core_type = #tpu.core_type<tc>, window_params = [{transform_indices = @transform_0, window_bounds = array<i64: 2, 2000, 64>}, {transform_indices = @transform_1, window_bounds = array<i64: 2000, 64>}, {transform_indices = @transform_2, window_bounds = array<i64: 2000, 1>}, {pipeline_mode = #tpu.pipeline_mode<synchronous>, transform_indices = @transform_3, window_bounds = array<i64: 64, 3>}, {pipeline_mode = #tpu.pipeline_mode<synchronous>, transform_indices = @transform_4, window_bounds = array<i64: 1, 3>}, {transform_indices = @transform_5, window_bounds = array<i64: 2000, 3>}]} {
    %get3A = arith.constant 0 : index
    %get3A_0 = arith.constant 0 : index
    %get3A_1 = arith.constant 0 : index
    %get3A_2 = vector.load %arg1[%get3A, %get3A_0, %get3A_1] : memref<2x2000x64xf32, #tpu.memory_space<vmem>>, vector<1x2000x64xf32>
    %get3A_3 = vector.shape_cast %get3A_2 : vector<1x2000x64xf32> to vector<2000x64xf32>
    %get3A_4 = arith.constant 1 : index
    %get3A_5 = arith.constant 0 : index
    %get3A_6 = arith.constant 0 : index
    %get3A_7 = vector.load %arg1[%get3A_4, %get3A_5, %get3A_6] : memref<2x2000x64xf32, #tpu.memory_space<vmem>>, vector<1x2000x64xf32>
    %get3A_8 = vector.shape_cast %get3A_7 : vector<1x2000x64xf32> to vector<2000x64xf32>
    %add3A = arith.addf %get3A_3, %get3A_8 : vector<2000x64xf32>
    %get3A_9 = arith.constant 0 : index
    %get3A_10 = arith.constant 0 : index
    %get3A_11 = vector.load %arg3[%get3A_9, %get3A_10] : memref<2000x1xf32, #tpu.memory_space<vmem>>, vector<2000x1xf32>
    %mul3A = vector.broadcast %get3A_11 : vector<2000x1xf32> to vector<2000x64xf32>
    %mul3A_12 = arith.mulf %add3A, %mul3A : vector<2000x64xf32>
    %get3A_13 = arith.constant 0 : index
    %get3A_14 = arith.constant 0 : index
    %get3A_15 = vector.load %arg2[%get3A_13, %get3A_14] : memref<2000x64xf32, #tpu.memory_space<vmem>>, vector<2000x64xf32>
    %add3A_16 = arith.addf %mul3A_12, %get3A_15 : vector<2000x64xf32>
    %max3A = arith.constant 0.000000e+00 : f32
    %max3A_17 = vector.broadcast %max3A : f32 to vector<2000x64xf32>
    %max3A_18 = arith.maximumf %add3A_16, %max3A_17 : vector<2000x64xf32>
    %get3A_19 = arith.constant 0 : index
    %get3A_20 = arith.constant 0 : index
    %get3A_21 = vector.load %arg4[%get3A_19, %get3A_20] : memref<64x3xf32, #tpu.memory_space<vmem>>, vector<64x3xf32>
    %dot_general3A = arith.constant dense<0.000000e+00> : vector<2000x3xf32>
    %dot_general3A_22 = tpu.matmul %max3A_18, %get3A_21, %dot_general3A {dimension_numbers = #tpu.dot_dimension_numbers<[1], [0], [0], [1], [0, 0, 1, 1], [], []>, transpose_lhs_hint = false} : vector<2000x64xf32>, vector<64x3xf32>, vector<2000x3xf32> -> vector<2000x3xf32>
    %get3A_23 = arith.constant 0 : index
    %get3A_24 = arith.constant 0 : index
    %get3A_25 = vector.load %arg5[%get3A_23, %get3A_24] : memref<1x3xf32, #tpu.memory_space<vmem>>, vector<1x3xf32>
    %add3A_26 = vector.broadcast %get3A_25 : vector<1x3xf32> to vector<2000x3xf32>
    %add3A_27 = arith.addf %dot_general3A_22, %add3A_26 : vector<2000x3xf32>
    %swap3A = arith.constant 0 : index
    %swap3A_28 = arith.constant 0 : index
    %swap3A_29 = vector.load %arg6[%swap3A, %swap3A_28] : memref<2000x3xf32, #tpu.memory_space<vmem>>, vector<2000x3xf32>
    tpu.vector_store %arg6[%swap3A, %swap3A_28], %add3A_27 {strides = array<i32>} : memref<2000x3xf32, #tpu.memory_space<vmem>>, vector<2000x3xf32>,
    return
  }
  func.func @transform_0(%arg0: i32) -> (i32, i32, i32) {
    %c0_i32 = arith.constant 0 : i32
    %c0_i32_0 = arith.constant 0 : i32
    %c0_i32_1 = arith.constant 0 : i32
    return %c0_i32, %arg0, %c0_i32_0 : i32, i32, i32
  }
  func.func @transform_1(%arg0: i32) -> (i32, i32) {
    %c0_i32 = arith.constant 0 : i32
    %c0_i32_0 = arith.constant 0 : i32
    return %arg0, %c0_i32 : i32, i32
  }
  func.func @transform_2(%arg0: i32) -> (i32, i32) {
    %c0_i32 = arith.constant 0 : i32
    %c0_i32_0 = arith.constant 0 : i32
    return %arg0, %c0_i32 : i32, i32
  }
  func.func @transform_3(%arg0: i32) -> (i32, i32) {
    %c0_i32 = arith.constant 0 : i32
    %c0_i32_0 = arith.constant 0 : i32
    %c0_i32_1 = arith.constant 0 : i32
    return %c0_i32, %c0_i32_0 : i32, i32
  }
  func.func @transform_4(%arg0: i32) -> (i32, i32) {
    %c0_i32 = arith.constant 0 : i32
    %c0_i32_0 = arith.constant 0 : i32
    %c0_i32_1 = arith.constant 0 : i32
    return %c0_i32, %c0_i32_0 : i32, i32
  }
  func.func @transform_5(%arg0: i32) -> (i32, i32) {
    %c0_i32 = arith.constant 0 : i32
    %c0_i32_0 = arith.constant 0 : i32
    return %arg0, %c0_i32 : i32, i32
  }
}

</mosaic_0001>

<sc_bundles>
// kernel: kernel.10.cloned.1.call-start
scs
__scs_entry_jumppad:
0x0: {  	(pc) =	sbr.rel $0x88, $3  }
0x1: {  	(tag) =	ssettag $0x0;
	lr =	simm.s32 $0x1  }
0x2: {  	[smem:$0x3F97] =	sst lr;
	_ =	strace $0xD0000000  }
0x3: {  	_ = 	snop  }
0x4: {  	_ = 	snop  }
0x5: {  	_ = 	snop  }
0x6: {  	_ = 	snop  }
0x7: {  	_ = 	snop  }
__scs_overlays_trampoline_lowered:
0x8: {  	[smem:$0x3FA6] =	sst s0  }
0x9: {  	[smem:$0x3FA7] =	sst s1  }
0xa: {  	[smem:$0x3FA8] =	sst s2  }
0xb: {  	[smem:$0x3FA9] =	sst s3  }
0xc: {  	[smem:$0x3FAA] =	sst s4  }
0xd: {  	[smem:$0x3FAB] =	sst s5  }
0xe: {  	[smem:$0x3FAC] =	sst s6  }
0xf: {  	[smem:$0x3FAD] =	sst s7  }
0x10: {  	[smem:$0x3FAE] =	sst s8  }
0x11: {  	[smem:$0x3FAF] =	sst s9;
	s0 =	simm.s32 @!p0 $0x0  }
0x12: {  	s1 =	sld [smem:$0x3F95];
	s0 =	simm.s32 @p0 $0x1  }
0x13: {  	[smem:$0x3FB0] =	sst s0;
	s0 =	simm.s32 @!p1 $0x0  }
0x14: {  	s2 =	sld [smem:$0x3F94];
	s0 =	simm.s32 @p1 $0x1  }
0x15: {  	[smem:$0x3FB1] =	sst s0;
	s0 =	simm.s32 @!p2 $0x0  }
0x16: {  	s3 =	sld [smem:$0x3FDB];
	s0 =	simm.s32 @p2 $0x1  }
0x17: {  	s4 =	simm.s32 $0x1BF5;
	[smem:$0x3FB3] =	sst s0  }
0x18: {  	s0 =	sld [smem:$0x3F96];
	_ =	swait.ge [sflag:s4], $0x0  }
0x19: {  	s7 =	sld [smem:$0x3F97]  }
0x1a: {  	s8 =	sadd.s32 $0xFFFFE003, lr  }
0x1b: {  	s9 =	sadd.s32 $0xFFFFFEF7, lr;
	s5 =	simm.s32 $0xFFFFFFFF;
	p2 =	slt.u32 s8, $0xFFFFF086  }
0x1c: {  	p1 =	slt.u32 s9, $0xF7A;
	s5 =	simm.s32 @!p2 $0x0  }
0x1d: {  	s5 =	simm.s32 @p1 $0x1;
	p0 =	seq.s32 s7, s2  }
0x1e: {  	s7 =	smul.u32 @!p0 $0xF7A, s2;
	p2 =	seq.s32 @!p0 s5, $0x0  }
0x1f: {  	s9 =	smul.u32 $0xF7A, s1;
	s8 =	simm.s32 @!p0 $0x1BF5;
	p2 =	por !p2, p0  }
0x20: {  	[sflag:s8] =	ssyncset.s32 @!p0 $0xFFFFF086;
	s6 =	sadd.s32 @!p0 s3, s7;
	s7 =	simm.s32 @!p0 $0x108  }
0x21: {  	s3 =	sadd.s32 s3, s9;
	s6 =	sadd.s32 @!p0 $0x88, s6;
	s7 =	simm.s32 @p2 $0x1082  }
0x22: {  	[simem:s7], [sflag:s8] =	dma.local @!p0 [hbm:s6], $0xF7A  }
0x23: {  	s9 =	sor.u32 $0xD0000000, s2;
	s6 =	simm.s32 $0x108;
	_ =	swait.ge @!p0 [sflag:s8], $0x0  }
0x24: {  	s3 =	sadd.s32 $0x88, s3;
	s6 =	simm.s32 @!p1 $0x1082;
	[sflag:s4] =	ssyncset.s32 $0xFFFFF086  }
0x25: {  	[simem:s6], [sflag:s4] =	dma.local [hbm:s3], $0xF7A  }
0x26: {  	[smem:$0x3F97] =	sst s1;
	(tag) =	ssettag s2;
	_ =	strace s9  }
0x27: {  	s1 =	sld [smem:$0x3FA7]  }
0x28: {  	s2 =	sld [smem:$0x3FA8]  }
0x29: {  	s4 =	sld [smem:$0x3FAA]  }
0x2a: {  	p0 =	seq.s32 s5, $0x0;
	s5 =	sld [smem:$0x3FAB]  }
0x2b: {  	s6 =	sld [smem:$0x3FAC]  }
0x2c: {  	s7 =	sld [smem:$0x3FAD]  }
0x2d: {  	s3 =	simm.s32 $0x108;
	s8 =	sld [smem:$0x3FAE]  }
0x2e: {  	s3 =	simm.s32 @!p0 $0x1082;
	s9 =	sld [smem:$0x3FAF]  }
0x2f: {  	lr =	sadd.s32 s0, s3;
	s0 =	sld [smem:$0x3FA6]  }
0x30: {  	s3 =	sld [smem:$0x3FA9]  }
0x31: {  	[smem:$0x3FB2] =	sst s10  }
0x32: {  	s10 =	sld [smem:$0x3FB0];
	_ =	sdelay $0x3  }
0x33: {  	p0 =	seq.s32 s10, $0x1;
	s10 =	sld [smem:$0x3FB2];
	_ =	sdelay $0x3  }
0x34: {  	[smem:$0x3FB2] =	sst s10  }
0x35: {  	s10 =	sld [smem:$0x3FB1];
	_ =	sdelay $0x3  }
0x36: {  	p1 =	seq.s32 s10, $0x1;
	s10 =	sld [smem:$0x3FB2];
	_ =	sdelay $0x3  }
0x37: {  	[smem:$0x3FB2] =	sst s10  }
0x38: {  	s10 =	sld [smem:$0x3FB3]  }
0x39: {  	_ = 	snop;
	(pc) =	sbr.ind lr, $3  }
0x3a: {  	_ = 	snop  }
0x3b: {  	_ = 	snop  }
0x3c: {  	p2 =	seq.s32 s10, $0x1;
	s10 =	sld [smem:$0x3FB2]  }
0x3d: {  	_ =	shalt  }
0x3e: {  	_ =	shalt  }
0x3f: {  	_ =	shalt  }
0x40: {  	_ =	shalt  }
0x41: {  	_ =	shalt  }
0x42: {  	_ =	shalt  }
0x43: {  	_ =	shalt  }
0x44: {  	_ =	shalt  }
0x45: {  	_ =	shalt  }
0x46: {  	_ =	shalt  }
0x47: {  	_ =	shalt  }
0x48: {  	_ =	shalt  }
0x49: {  	_ =	shalt  }
0x4a: {  	_ =	shalt  }
0x4b: {  	_ =	shalt  }
0x4c: {  	_ =	shalt  }
0x4d: {  	_ =	shalt  }
0x4e: {  	_ =	shalt  }
0x4f: {  	_ =	shalt  }
0x50: {  	_ =	shalt  }
0x51: {  	_ =	shalt  }
0x52: {  	_ =	shalt  }
0x53: {  	_ =	shalt  }
0x54: {  	_ =	shalt  }
0x55: {  	_ =	shalt  }
0x56: {  	_ =	shalt  }
0x57: {  	_ =	shalt  }
0x58: {  	_ =	shalt  }
0x59: {  	_ =	shalt  }
0x5a: {  	_ =	shalt  }
0x5b: {  	_ =	shalt  }
0x5c: {  	_ =	shalt  }
0x5d: {  	_ =	shalt  }
0x5e: {  	_ =	shalt  }
0x5f: {  	_ =	shalt  }
0x60: {  	_ =	shalt  }
0x61: {  	_ =	shalt  }
0x62: {  	_ =	shalt  }
0x63: {  	_ =	shalt  }
0x64: {  	_ =	shalt  }
0x65: {  	_ =	shalt  }
0x66: {  	_ =	shalt  }
0x67: {  	_ =	shalt  }
0x68: {  	_ =	shalt  }
0x69: {  	_ =	shalt  }
0x6a: {  	_ =	shalt  }
0x6b: {  	_ =	shalt  }
0x6c: {  	_ =	shalt  }
0x6d: {  	_ =	shalt  }
0x6e: {  	_ =	shalt  }
0x6f: {  	_ =	shalt  }
0x70: {  	_ =	shalt  }
0x71: {  	_ =	shalt  }
0x72: {  	_ =	shalt  }
0x73: {  	_ =	shalt  }
0x74: {  	_ =	shalt  }
0x75: {  	_ =	shalt  }
0x76: {  	_ =	shalt  }
0x77: {  	_ =	shalt  }
0x78: {  	_ =	shalt  }
0x79: {  	_ =	shalt  }
0x7a: {  	_ =	shalt  }
0x7b: {  	_ =	shalt  }
0x7c: {  	_ =	shalt  }
0x7d: {  	_ =	shalt  }
0x7e: {  	_ =	shalt  }
0x7f: {  	_ =	shalt  }
0x80: {  	_ =	shalt  }
0x81: {  	_ =	shalt  }
0x82: {  	_ =	shalt  }
0x83: {  	_ =	shalt  }
0x84: {  	_ =	shalt  }
0x85: {  	_ =	shalt  }
0x86: {  	_ =	shalt  }
0x87: {  	_ =	shalt  }
.Lfunc_end0:
.L_simem_size_0:
called_computation.1_lowered:
.L_overlay_start_0:
0x88: {  	s2 =	sld [smem:$0x3FD9]  }
0x89: {  	s3 =	sld [smem:$0x3FFE];
	_ =	sdelay $0x1  }
0x8a: {  	s1 =	srdreg.scid  }
0x8b: {  	s0 =	sand.u32 $0x1, s1  }
0x8c: {  	s16 =	sshll.u32 s0, $0xA;
	s2 =	sadd.s32 s3, s2  }
0x8d: {  	s2 =	sadd.s32 s2, s16  }
0x8e: {  	[smem:$0x3FBE] =	sst s2  }
0x8f: {  	_ = 	snop  }
0x90: {  	(tm) =	ssettm $0x1  }
0x91: {  	s17 =	sld [smem:$0x3FFB];
	_ =	sdelay $0x3  }
0x92: {  	_ =	strace s17  }
0x93: {  	s2 =	sld [smem:$0x3FFC];
	_ =	sdelay $0x3  }
0x94: {  	_ =	strace s2  }
0x95: {  	s2 =	sld [smem:$0x3FFD];
	_ =	sdelay $0x3  }
0x96: {  	_ =	strace s2  }
0x97: {  	_ =	strace $0x8FFFFFFF  }
0x98: {  	s18 =	sld [smem:$0x3FDB];
	_ =	sdelay $0x1  }
0x99: {  	s19 =	simm.s32 $_scs_section_size  }
0x9a: {  	s4 =	simm.s32 $_size__tile_overlayer_lowered;
	s5 =	simm.s32 $_tile_overlayer_lowered  }
0x9b: {  	s22 =	simm.s32 $0x1BFF;
	s21 =	sshll.u32 s5, $0x1;
	s2 =	sadd.s32 s19, s18  }
0x9c: {  	s6 =	simm.s32 $0x0;
	s20 =	sshll.u32 s4, $0x1;
	s4 =	sadd.s32 s21, s2  }
0x9d: {  	[timem:s6], [sflag:s22] =	dma.local [hbm:s4], s20  }
0x9e: {  	_ =	swait.ge [sflag:s22], s20  }
0x9f: {  	s3 =	ssub.s32 $0x0, s20;
	[sflag:s22] =	ssyncset.done $0x0  }
0xa0: {  	[sflag:s22] =	ssyncadd.s32 s3;
	_ =	sdelay $0x1  }
0xa1: {  	s23 =	simm.s32 $0x1B8B  }
0xa2: {  	_ =	swait.ge [sflag:s23], $0x1  }
0xa3: {  	[sflag:s23] =	ssyncset.done $0x0  }
0xa4: {  	s25 =	simm.s32 $0x1B8E;
	s24 =	sld [smem:$0x3FFE];
	[sflag:s23] =	ssyncadd.s32 $0xFFFFFFFF  }
0xa5: {  	s26 =	simm.s32 $execute0_lowered;
	[smem:$0x3FD2] =	sst s25  }
0xa6: {  	s4 =	sshll.u32 s26, $0x1;
	_ =	strace $0x80000049;
	[dreg:$0x1] =	wrdreg $0xFFFFFFFF  }
0xa7: {  	s28 =	simm.s32 $_size_execute0_lowered;
	s2 =	sadd.s32 s2, s4;
	[dreg:$0x0] =	wrdreg $0x0  }
0xa8: {  	s4 =	sshll.u32 s28, $0x1;
	[dreg:$0x2] =	wrdreg s2  }
0xa9: {  	[dreg:$0x3] =	wrdreg s4  }
0xaa: {  	[dreg:$0x4] =	wrdreg $0xC0  }
0xab: {  	_ =	task [dreg:s6], $0x5FFFF  }
0xac: {  	[dreg:$0x1] =	wrdreg $0xFFFFFFFF  }
0xad: {  	[dreg:$0x0] =	wrdreg $0x60  }
0xae: {  	[dreg:$0x2] =	wrdreg s24  }
0xaf: {  	[dreg:$0x3] =	wrdreg $0x90000  }
0xb0: {  	[dreg:$0x4] =	wrdreg $0x12C400  }
0xb1: {  	[dreg:$0x5] =	wrdreg $0x9  }
0xb2: {  	_ =	task.clear_ibuf [dreg:s6], $0x6FFFF;
	_ =	strace $0x90000049  }
0xb3: {  	s29 =	simm.s32 $0x9;
	_ =	strace $0x8000004B  }
0xb4: {  	_ =	swait.ge [sflag:s29], $0x1  }
0xb5: {  	[sflag:s29] =	ssyncadd.s32 $0xFFFFFFFF  }
0xb6: {  	_ =	strace $0x9000004B  }
0xb7: {  	_ =	sfence  }
0xb8: {  	s30 =	sld [smem:$0x0];
	_ =	sdelay $0x2  }
0xb9: {  	s31 =	sshll.u32 s1, $0xD;
	s1 =	sshrl.u32 s1, $0x2  }
0xba: {  	s3 =	sand.u32 $0x4000, s31;
	s1 =	sadd.s32 s1, s30  }
0xbb: {  	s0 =	sor.u32 s3, s0;
	s1 =	sshll.u32 s1, $0x11  }
0xbc: {  	s0 =	sor.u32 s1, s0  }
0xbd: {  	s0 =	sadd.s32 $0x8F2B, s0  }
0xbe: {  	[sflag:s0] =	ssyncadd.remote.s32 $0x1  }
0xbf: {  	_ =	sfence.sel $0xFFFF  }
0xc0: {  	[dreg:$0x0] =	wrdreg $0xFFFFFFFF;
	(pc) =	sbr.abs _section_cstart, $3  }
0xc1: {  	[dreg:$0x1] =	wrdreg $0xFFFFFFFF  }
0xc2: {  	_ =	task.clear_ibuf [dreg:s6], $0x2FFFF;
	_ =	strace $0x9FFFFFFF  }
0xc3: {  	(tm) =	ssettm $0x7FFFFFFF  }
tec
execute0_lowered:
.L_overlay_start_1:
0x0: {  	(tag) =	ssettag $0x1  }
0x1: {  	s22 =	stileid.u32;
	s1 =	rddreg [dreg:$0x0]  }
0x2: {  	s0 =	srdreg.scid;
	s2 =	rddreg [dreg:$0x1]  }
0x3: {  	s11 =	simm.s32 $0x0;
	s28 =	simm.s32 $0x1;
	s4 =	smul.u32 $0x9C40, s22  }
0x4: {  	s29 =	simm.s32 $0x2;
	s30 =	simm.s32 $0x80;
	s10 =	smul.u32 $0x9C80, s22  }
0x5: {  	s0 =	sand.u32 $0x1, s0;
	s3 =	sshll.u32 s22, $0x1;
	s18 =	smul.u32 $0x27200, s22  }
0x6: {  	[smem:$0x7FF] =	sst s11;
	s15 =	sshll.u32 s22, $0x6;
	s23 =	smul.u32 $0x14000, s22  }
0x7: {  	s5 =	sor.u32 s0, s3;
	s3 =	rddreg [dreg:$0x2];
	s6 =	smul.u32 $0x9C800, s0  }
0x8: {  	_ =	strace $0x8000004A;
	s11 =	ssub.s32 $0x2, s0;
	s8 =	smul.u32 $0x50, s5  }
0x9: {  	s12 =	sshrl.u32 s4, $0x3;
	s13 =	sshrl.u32 s11, $0x1;
	s20 =	sadd.s32 s4, s2  }
0xa: {  	s4 =	sshrl.u32 s18, $0x2;
	s18 =	smul.u32 $0xFFFFFF60, s22;
	s5 =	sadd.s32 s12, s1  }
0xb: {  	s6 =	sadd.s32 s10, s6;
	s17 =	ssub.s32 s11, s13;
	s10 =	sadd.s32 s10, s3  }
0xc: {  	s4 =	sadd.s32 s4, s3;
	s9 =	smin.u32 s8, $0x974;
	s6 =	sshrl.u32 s6, $0x3  }
0xd: {  	s14 =	sadd.s32 $0x15C00, s5;
	s16 =	ssub.s32 $0x9C4, s8;
	s11 =	sadd.s32 $0x2000, s4  }
0xe: {  	s13 =	sadd.s32 $0x6000, s4;
	s17 =	smax.u32 s17, $0x1;
	s7 =	sshll.u32 s9, $0x4  }
0xf: {  	[dreg:$0x4] =	wrdreg s14;
	s14 =	sadd.s32 $0x8000, s4;
	s12 =	sadd.s32 s7, s1  }
0x10: {  	s1 =	sadd.s32 s6, s1;
	s6 =	sor.u32 $0x1C01, s15;
	s7 =	smin.u32 s16, $0x50  }
0x11: {  	s15 =	ssub.s32 s8, s9;
	s16 =	smul.u32 $0xFFFFFFB0, s0;
	s19 =	sadd.s32 $0x2200, s12  }
0x12: {  	s21 =	sadd.s32 $0xBE40, s12;
	[dreg:$0x5] =	wrdreg s19;
	s19 =	smul.u32 $0xA0, s22  }
0x13: {  	s12 =	sadd.s32 $0x4000, s4;
	[dreg:$0x6] =	wrdreg s21;
	s21 =	smul.u32 $0x50, s0  }
0x14: {  	s15 =	sshll.u32 s15, $0x9;
	s0 =	smul.u32 $0xA000, s0;
	s16 =	sadd.s32 s18, s16  }
0x15: {  	s15 =	sshra.s32 s15, $0x2;
	s25 =	sadd.s32 $0x9C4, s16;
	s19 =	sadd.s32 s21, s19  }
0x16: {  	s16 =	sadd.s32 $0x29600, s1;
	s18 =	sor.u32 $0x80, s15;
	s24 =	smin.u32 s19, $0x974  }
0x17: {  	s1 =	simm.s32 $0x0;
	s0 =	sadd.s32 s0, s23;
	s26 =	sshll.u32 s24, $0x9  }
0x18: {  	s31 =	smin.u32 s25, $0x50;
	s23 =	sshrl.u32 s20, $0x3;
	s0 =	ssub.s32 s0, s26  }
0x19: {  	s25 =	simm.s32 $0x5000;
	s19 =	sadd.s32 $0x2800, s15;
	s4 =	sor.u32 $0x200, s0  }
0x1a: {  	s22 =	sadd.s32 $0xFFFFFFFF, s31;
	s0 =	sor.u32 $0x400, s0;
	s4 =	sshra.s32 s4, $0x2  }
0x1b: {  	v0 =	vimm.f32 $0.0e+00;
	s26 =	simm.s32 $0x3;
	s21 =	sshra.s32 s0, $0x2;
	s4 =	sadd.s32 $0x2800, s4  }
.LBB2_1:
0x1c: {  	s0 =	rddreg [dreg:$0x4]  }
0x1d: {  	[spmem:s23], [sflag:s6] =	dma.local [hbm:s0], $0x1388  }
0x1e: {  	s24 =	simm.s32 $0x0;
	s8 =	simm.s32 $0x2800;
	s5 =	rddreg [dreg:$0x5]  }
0x1f: {  	[tilespmem:s24], [sflag:$0x2] =	stream.linear.gather [hbm4b:s5+s24], $0x2800, $0x38;
	[tilespmem:$0x1C8C0] =	vst v63  }
0x20: {  	s20 =	simm.s32 $0x100;
	s0 =	simm.s32 $0x0;
	s31 =	rddreg [dreg:$0x6]  }
0x21: {  	[tilespmem:s8], [sflag:$0x2] =	stream.linear.gather [hbm4b:s31+s24], $0x2800, $0x38;
	[tilespmem:$0x1C8C0] =	vst v63  }
.LBB2_2:
0x22: {  	p0 =	sne.s32 s20, $0x7F00;
	[tilespmem:s0+$0x5030] =	vst v0;
	s24 =	smov.u32 s20;
	s20 =	sadd.s32 $0x100, s20  }
.Ltmp0:
0x23: {  	[tilespmem:s0+$0x5020] =	vst v0;
	(pc) =	sbr.rel @p0 .LBB2_2-.Ltmp0, $3  }
0x24: {  	[tilespmem:s0+$0x5000] =	vst v0  }
0x25: {  	[tilespmem:s0+$0x5010] =	vst v0;
	_ =	sdelay $0x1  }
0x26: {  	s0 =	sshra.s32 s24, $0x2  }
0x27: {  	[tilespmem:s0+$0x5030] =	vst v0  }
0x28: {  	[tilespmem:s0+$0x5020] =	vst v0  }
0x29: {  	[tilespmem:s0+$0x5000] =	vst v0  }
0x2a: {  	[tilespmem:s0+$0x5010] =	vst v0  }
0x2b: {  	[spmem:s10] =	stream.linear.scatter [tilespmem:s25], [sflag:$0x3], $0x2000, $0x38;
	[tilespmem:$0x1C8C0] =	vst v63  }
0x2c: {  	_ =	swait.ge [sflag:s26], $0x2000  }
0x2d: {  	[sflag:s26] =	ssyncset.done $0x0  }
0x2e: {  	[sflag:s26] =	ssyncadd.s32 $0xFFFFE000  }
0x2f: {  	[spmem:s11] =	stream.linear.scatter [tilespmem:s25], [sflag:$0x3], $0x2000, $0x38;
	[tilespmem:$0x1C8C0] =	vst v63  }
0x30: {  	_ =	swait.ge [sflag:s26], $0x2000  }
0x31: {  	[sflag:s26] =	ssyncset.done $0x0  }
0x32: {  	[sflag:s26] =	ssyncadd.s32 $0xFFFFE000  }
0x33: {  	[spmem:s12] =	stream.linear.scatter [tilespmem:s25], [sflag:$0x3], $0x2000, $0x38;
	[tilespmem:$0x1C8C0] =	vst v63  }
0x34: {  	_ =	swait.ge [sflag:s26], $0x2000  }
0x35: {  	[sflag:s26] =	ssyncset.done $0x0  }
0x36: {  	[sflag:s26] =	ssyncadd.s32 $0xFFFFE000  }
0x37: {  	[spmem:s13] =	stream.linear.scatter [tilespmem:s25], [sflag:$0x3], $0x2000, $0x38;
	[tilespmem:$0x1C8C0] =	vst v63  }
0x38: {  	_ =	swait.ge [sflag:s26], $0x2000  }
0x39: {  	[sflag:s26] =	ssyncset.done $0x0  }
0x3a: {  	[sflag:s26] =	ssyncadd.s32 $0xFFFFE000  }
0x3b: {  	[spmem:s14] =	stream.linear.scatter [tilespmem:s25], [sflag:$0x3], $0x1C80, $0x38;
	[tilespmem:$0x1C8C0] =	vst v63  }
0x3c: {  	_ =	swait.ge [sflag:s26], $0x1C80  }
0x3d: {  	[sflag:s26] =	ssyncset.done $0x0  }
0x3e: {  	[sflag:s26] =	ssyncadd.s32 $0xFFFFE380  }
0x3f: {  	_ =	swait.ge [sflag:s28], $0x1388  }
0x40: {  	[sflag:s28] =	ssyncset.done $0x0  }
0x41: {  	[sflag:s28] =	ssyncadd.s32 $0xFFFFEC78  }
0x42: {  	_ =	swait.ge [sflag:s29], $0x2800  }
0x43: {  	[sflag:s29] =	ssyncset.done $0x0  }
0x44: {  	[sflag:s29] =	ssyncadd.s32 $0xFFFFD800  }
0x45: {  	_ =	swait.ge [sflag:s29], $0x2800  }
0x46: {  	[sflag:s29] =	ssyncset.done $0x0  }
0x47: {  	[sflag:s29] =	ssyncadd.s32 $0xFFFFD800  }
0x48: {  	[bflag:$0x0] =	sbarrier.arrive $0xFFFF  }
0x49: {  	[tilespmem:s25], [sflag:$0x1] =	stream.indirect.gather [spmem:s2], $0x40, s15, s30, $0xb8;
	[tilespmem:$0x1C8C0] =	vst v63  }
0x4a: {  	_ =	swait.ge [sflag:s28], $0x2000  }
0x4b: {  	[sflag:s28] =	ssyncset.done $0x0  }
0x4c: {  	s20 =	simm.s32 $0x7000;
	[sflag:s28] =	ssyncadd.s32 $0xFFFFE000  }
0x4d: {  	[tilespmem:s20], [sflag:$0x1] =	stream.indirect.gather [spmem:s2], $0x40, s18, s30, $0xb8;
	[tilespmem:$0x1C8C0] =	vst v63  }
0x4e: {  	_ = 	snop  }
0x4f: {  	[spmem:s3] =	stream.indirect.scatter.add.f32 [tilespmem:s25], [sflag:$0x2], $0x40, s19, s30, $0xb8;
	[tilespmem:$0x1C8C0] =	vst v63  }
0x50: {  	_ =	swait.ge [sflag:s28], $0x2000  }
0x51: {  	[sflag:s28] =	ssyncset.done $0x0  }
0x52: {  	[sflag:s28] =	ssyncadd.s32 $0xFFFFE000  }
0x53: {  	s0 =	simm.s32 $0x4000;
	p0 =	sle.u32 s7, $0x2;
	_ =	swait.ge [sflag:s29], $0x2000  }
0x54: {  	s0 =	sand.u32 @!p0 $0x2000, s0;
	[sflag:s29] =	ssyncset.done $0x0  }
0x55: {  	s24 =	simm.s32 @!p0 $0x80;
	s0 =	sor.u32 @!p0 $0x5000, s0;
	[sflag:s29] =	ssyncadd.s32 $0xFFFFE000  }
0x56: {  	[tilespmem:s0], [sflag:$0x1] =	stream.indirect.gather @!p0 [spmem:s2], $0x40, s21, s24, $0xb8;
	[tilespmem:$0x1C8C0] =	vst v63  }
0x57: {  	p0 =	sne.s32 s22, $0x1  }
.Ltmp1:
0x58: {  	s20 =	simm.s32 $0x2000;
	(pc) =	sbr.rel @!p0 .LBB2_5-.Ltmp1, $4  }
0x59: {  	s20 =	sand.u32 $0x2000, s20  }
0x5a: {  	s31 =	simm.s32 $0x6000;
	s24 =	sor.u32 $0x5000, s20  }
0x5b: {  	[spmem:s3] =	stream.indirect.scatter.add.f32 [tilespmem:s24], [sflag:$0x2], $0x40, s4, s30, $0xb8;
	[tilespmem:$0x1C8C0] =	vst v63  }
0x5c: {  	s0 =	simm.s32 $0x1;
	s20 =	smov.u32 s4;
	s24 =	sadd.s32 $0x80, s21  }
.LBB2_4:
0x5d: {  	_ =	swait.ge [sflag:s28], $0x2000  }
0x5e: {  	s20 =	sadd.s32 $0x80, s20;
	s5 =	smov.u32 s0;
	s0 =	sadd.s32 $0x1, s0  }
0x5f: {  	[sflag:s28] =	ssyncset.done $0x0;
	p0 =	sne.s32 s22, s0  }
0x60: {  	s8 =	sadd.s32 $0xFFFFE000, s31;
	s5 =	sadd.s32 $0x2, s5;
	[sflag:s28] =	ssyncadd.s32 $0xFFFFE000  }
0x61: {  	s8 =	sand.u32 $0x2000, s8;
	p1 =	sge.u32 s5, s7;
	_ =	swait.ge [sflag:s29], $0x2000  }
0x62: {  	s5 =	sand.u32 @!p1 $0x2000, s31;
	s9 =	simm.s32 @!p1 $0x80;
	[sflag:s29] =	ssyncset.done $0x0  }
.Ltmp2:
0x63: {  	s5 =	sor.u32 @!p1 $0x5000, s5;
	[sflag:s29] =	ssyncadd.s32 $0xFFFFE000;
	(pc) =	sbr.rel @p0 .LBB2_4-.Ltmp2, $4  }
0x64: {  	[tilespmem:s5], [sflag:$0x1] =	stream.indirect.gather @!p1 [spmem:s2], $0x40, s24, s9, $0xb8;
	[tilespmem:$0x1C8C0] =	vst v63  }
0x65: {  	s5 =	sor.u32 $0x5000, s8  }
0x66: {  	[spmem:s3] =	stream.indirect.scatter.add.f32 [tilespmem:s5], [sflag:$0x2], $0x40, s20, s30, $0xb8;
	[tilespmem:$0x1C8C0] =	vst v63  }
0x67: {  	s31 =	sadd.s32 $0x2000, s31;
	s24 =	sadd.s32 $0x80, s24  }
.LBB2_5:
0x68: {  	_ =	swait.ge [sflag:s29], $0x2000  }
0x69: {  	s1 =	sadd.s32 $0x1, s1;
	[sflag:s29] =	ssyncset.done $0x0  }
0x6a: {  	p0 =	sne.s32 s1, s17;
	[sflag:s29] =	ssyncadd.s32 $0xFFFFE000  }
.Ltmp3:
0x6b: {  	s0 =	sshrl.u32 s10, $0x3;
	[bflag:$0x0] =	sbarrier.arrive $0xFFFF;
	(pc) =	sbr.rel @p0 .LBB2_1-.Ltmp3, $4  }
0x6c: {  	[hbm:s16], [sflag:s6] =	dma.local [spmem:s0], $0x1390  }
0x6d: {  	_ =	swait.ge [sflag:s28], $0x1390  }
0x6e: {  	[sflag:s28] =	ssyncset.done $0x0  }
0x6f: {  	[sflag:s28] =	ssyncadd.s32 $0xFFFFEC70  }
0x70: {  	_ =	sfence.sel $0x180000  }
0x71: {  	[bflag:$0x0] =	sbarrier.arrive $0xFFFF  }
0x72: {  	_ =	strace $0x9000004A  }
0x73: {  	s0 =	stileid.u32;
	[bflag:$0x2] =	sbarrier.arrive $0xFFFF  }
0x74: {  	p0 =	sne.s32 s0, $0x0;
	s0 =	rddreg [dreg:$0x3]  }
0x75: {  	s0 =	sadd.s32 @!p0 $0x100000, s0  }
0x76: {  	[sflag:s0] =	ssyncadd.tile.s32 @!p0 $0x1;
	_ =	shalt  }
.Lfunc_end2:
_tile_overlayer_lowered:
.L_overlay_start_2:
0x77: {  	(tag) =	ssettag $0x2  }
0x78: {  	s0 =	rddreg [dreg:$0x0];
	s2 =	stileid.u32  }
0x79: {  	s1 =	rddreg [dreg:$0x1];
	p0 =	sne.s32 s2, $0x0  }
0x7a: {  	s3 =	rddreg [dreg:$0x2];
	[bflag:$0x3] =	sbarrier.arrive $0xFFFF;
	s2 =	simm.s32 @!p0 $0x1C03  }
0x7b: {  	[timem:s3], [sflag:s2] =	dma.local @!p0 [hbm:s0], s1  }
0x7c: {  	s0 =	simm.s32 @!p0 $0x3  }
0x7d: {  	_ =	swait.ge @!p0 [sflag:s0], s1  }
0x7e: {  	s1 =	ssub.s32 @!p0 $0x0, s1;
	[sflag:s0] =	ssyncset.done @!p0 $0x0  }
0x7f: {  	[sflag:s0] =	ssyncadd.s32 @!p0 s1  }
0x80: {  	[bflag:$0x3] =	sbarrier.arrive $0xFFFF  }
0x81: {  	_ =	shalt  }

// kernel: kernel.7.cloned.1.call-start
scs
__scs_entry_jumppad:
0x0: {  	(pc) =	sbr.rel $0x88, $3  }
0x1: {  	(tag) =	ssettag $0x0;
	lr =	simm.s32 $0x1  }
0x2: {  	[smem:$0x3F97] =	sst lr;
	_ =	strace $0xD0000000  }
0x3: {  	_ = 	snop  }
0x4: {  	_ = 	snop  }
0x5: {  	_ = 	snop  }
0x6: {  	_ = 	snop  }
0x7: {  	_ = 	snop  }
__scs_overlays_trampoline_lowered:
0x8: {  	[smem:$0x3FA6] =	sst s0  }
0x9: {  	[smem:$0x3FA7] =	sst s1  }
0xa: {  	[smem:$0x3FA8] =	sst s2  }
0xb: {  	[smem:$0x3FA9] =	sst s3  }
0xc: {  	[smem:$0x3FAA] =	sst s4  }
0xd: {  	[smem:$0x3FAB] =	sst s5  }
0xe: {  	[smem:$0x3FAC] =	sst s6  }
0xf: {  	[smem:$0x3FAD] =	sst s7  }
0x10: {  	[smem:$0x3FAE] =	sst s8  }
0x11: {  	[smem:$0x3FAF] =	sst s9;
	s0 =	simm.s32 @!p0 $0x0  }
0x12: {  	s1 =	sld [smem:$0x3F95];
	s0 =	simm.s32 @p0 $0x1  }
0x13: {  	[smem:$0x3FB0] =	sst s0;
	s0 =	simm.s32 @!p1 $0x0  }
0x14: {  	s2 =	sld [smem:$0x3F94];
	s0 =	simm.s32 @p1 $0x1  }
0x15: {  	[smem:$0x3FB1] =	sst s0;
	s0 =	simm.s32 @!p2 $0x0  }
0x16: {  	s3 =	sld [smem:$0x3FDB];
	s0 =	simm.s32 @p2 $0x1  }
0x17: {  	s4 =	simm.s32 $0x1BF5;
	[smem:$0x3FB3] =	sst s0  }
0x18: {  	s0 =	sld [smem:$0x3F96];
	_ =	swait.ge [sflag:s4], $0x0  }
0x19: {  	s7 =	sld [smem:$0x3F97]  }
0x1a: {  	s8 =	sadd.s32 $0xFFFFE003, lr  }
0x1b: {  	s9 =	sadd.s32 $0xFFFFFEF7, lr;
	s5 =	simm.s32 $0xFFFFFFFF;
	p2 =	slt.u32 s8, $0xFFFFF086  }
0x1c: {  	p1 =	slt.u32 s9, $0xF7A;
	s5 =	simm.s32 @!p2 $0x0  }
0x1d: {  	s5 =	simm.s32 @p1 $0x1;
	p0 =	seq.s32 s7, s2  }
0x1e: {  	s7 =	smul.u32 @!p0 $0xF7A, s2;
	p2 =	seq.s32 @!p0 s5, $0x0  }
0x1f: {  	s9 =	smul.u32 $0xF7A, s1;
	s8 =	simm.s32 @!p0 $0x1BF5;
	p2 =	por !p2, p0  }
0x20: {  	[sflag:s8] =	ssyncset.s32 @!p0 $0xFFFFF086;
	s6 =	sadd.s32 @!p0 s3, s7;
	s7 =	simm.s32 @!p0 $0x108  }
0x21: {  	s3 =	sadd.s32 s3, s9;
	s6 =	sadd.s32 @!p0 $0x88, s6;
	s7 =	simm.s32 @p2 $0x1082  }
0x22: {  	[simem:s7], [sflag:s8] =	dma.local @!p0 [hbm:s6], $0xF7A  }
0x23: {  	s9 =	sor.u32 $0xD0000000, s2;
	s6 =	simm.s32 $0x108;
	_ =	swait.ge @!p0 [sflag:s8], $0x0  }
0x24: {  	s3 =	sadd.s32 $0x88, s3;
	s6 =	simm.s32 @!p1 $0x1082;
	[sflag:s4] =	ssyncset.s32 $0xFFFFF086  }
0x25: {  	[simem:s6], [sflag:s4] =	dma.local [hbm:s3], $0xF7A  }
0x26: {  	[smem:$0x3F97] =	sst s1;
	(tag) =	ssettag s2;
	_ =	strace s9  }
0x27: {  	s1 =	sld [smem:$0x3FA7]  }
0x28: {  	s2 =	sld [smem:$0x3FA8]  }
0x29: {  	s4 =	sld [smem:$0x3FAA]  }
0x2a: {  	p0 =	seq.s32 s5, $0x0;
	s5 =	sld [smem:$0x3FAB]  }
0x2b: {  	s6 =	sld [smem:$0x3FAC]  }
0x2c: {  	s7 =	sld [smem:$0x3FAD]  }
0x2d: {  	s3 =	simm.s32 $0x108;
	s8 =	sld [smem:$0x3FAE]  }
0x2e: {  	s3 =	simm.s32 @!p0 $0x1082;
	s9 =	sld [smem:$0x3FAF]  }
0x2f: {  	lr =	sadd.s32 s0, s3;
	s0 =	sld [smem:$0x3FA6]  }
0x30: {  	s3 =	sld [smem:$0x3FA9]  }
0x31: {  	[smem:$0x3FB2] =	sst s10  }
0x32: {  	s10 =	sld [smem:$0x3FB0];
	_ =	sdelay $0x3  }
0x33: {  	p0 =	seq.s32 s10, $0x1;
	s10 =	sld [smem:$0x3FB2];
	_ =	sdelay $0x3  }
0x34: {  	[smem:$0x3FB2] =	sst s10  }
0x35: {  	s10 =	sld [smem:$0x3FB1];
	_ =	sdelay $0x3  }
0x36: {  	p1 =	seq.s32 s10, $0x1;
	s10 =	sld [smem:$0x3FB2];
	_ =	sdelay $0x3  }
0x37: {  	[smem:$0x3FB2] =	sst s10  }
0x38: {  	s10 =	sld [smem:$0x3FB3]  }
0x39: {  	_ = 	snop;
	(pc) =	sbr.ind lr, $3  }
0x3a: {  	_ = 	snop  }
0x3b: {  	_ = 	snop  }
0x3c: {  	p2 =	seq.s32 s10, $0x1;
	s10 =	sld [smem:$0x3FB2]  }
0x3d: {  	_ =	shalt  }
0x3e: {  	_ =	shalt  }
0x3f: {  	_ =	shalt  }
0x40: {  	_ =	shalt  }
0x41: {  	_ =	shalt  }
0x42: {  	_ =	shalt  }
0x43: {  	_ =	shalt  }
0x44: {  	_ =	shalt  }
0x45: {  	_ =	shalt  }
0x46: {  	_ =	shalt  }
0x47: {  	_ =	shalt  }
0x48: {  	_ =	shalt  }
0x49: {  	_ =	shalt  }
0x4a: {  	_ =	shalt  }
0x4b: {  	_ =	shalt  }
0x4c: {  	_ =	shalt  }
0x4d: {  	_ =	shalt  }
0x4e: {  	_ =	shalt  }
0x4f: {  	_ =	shalt  }
0x50: {  	_ =	shalt  }
0x51: {  	_ =	shalt  }
0x52: {  	_ =	shalt  }
0x53: {  	_ =	shalt  }
0x54: {  	_ =	shalt  }
0x55: {  	_ =	shalt  }
0x56: {  	_ =	shalt  }
0x57: {  	_ =	shalt  }
0x58: {  	_ =	shalt  }
0x59: {  	_ =	shalt  }
0x5a: {  	_ =	shalt  }
0x5b: {  	_ =	shalt  }
0x5c: {  	_ =	shalt  }
0x5d: {  	_ =	shalt  }
0x5e: {  	_ =	shalt  }
0x5f: {  	_ =	shalt  }
0x60: {  	_ =	shalt  }
0x61: {  	_ =	shalt  }
0x62: {  	_ =	shalt  }
0x63: {  	_ =	shalt  }
0x64: {  	_ =	shalt  }
0x65: {  	_ =	shalt  }
0x66: {  	_ =	shalt  }
0x67: {  	_ =	shalt  }
0x68: {  	_ =	shalt  }
0x69: {  	_ =	shalt  }
0x6a: {  	_ =	shalt  }
0x6b: {  	_ =	shalt  }
0x6c: {  	_ =	shalt  }
0x6d: {  	_ =	shalt  }
0x6e: {  	_ =	shalt  }
0x6f: {  	_ =	shalt  }
0x70: {  	_ =	shalt  }
0x71: {  	_ =	shalt  }
0x72: {  	_ =	shalt  }
0x73: {  	_ =	shalt  }
0x74: {  	_ =	shalt  }
0x75: {  	_ =	shalt  }
0x76: {  	_ =	shalt  }
0x77: {  	_ =	shalt  }
0x78: {  	_ =	shalt  }
0x79: {  	_ =	shalt  }
0x7a: {  	_ =	shalt  }
0x7b: {  	_ =	shalt  }
0x7c: {  	_ =	shalt  }
0x7d: {  	_ =	shalt  }
0x7e: {  	_ =	shalt  }
0x7f: {  	_ =	shalt  }
0x80: {  	_ =	shalt  }
0x81: {  	_ =	shalt  }
0x82: {  	_ =	shalt  }
0x83: {  	_ =	shalt  }
0x84: {  	_ =	shalt  }
0x85: {  	_ =	shalt  }
0x86: {  	_ =	shalt  }
0x87: {  	_ =	shalt  }
.Lfunc_end0:
.L_simem_size_0:
called_computation_lowered:
.L_overlay_start_0:
0x88: {  	s2 =	sld [smem:$0x3FD9]  }
0x89: {  	s3 =	sld [smem:$0x3FFE];
	_ =	sdelay $0x1  }
0x8a: {  	s1 =	srdreg.scid  }
0x8b: {  	s0 =	sand.u32 $0x1, s1  }
0x8c: {  	s16 =	sshll.u32 s0, $0xA;
	s2 =	sadd.s32 s3, s2  }
0x8d: {  	s2 =	sadd.s32 s2, s16  }
0x8e: {  	[smem:$0x3FBE] =	sst s2  }
0x8f: {  	_ = 	snop  }
0x90: {  	(tm) =	ssettm $0x1  }
0x91: {  	s17 =	sld [smem:$0x3FFB];
	_ =	sdelay $0x3  }
0x92: {  	_ =	strace s17  }
0x93: {  	s2 =	sld [smem:$0x3FFC];
	_ =	sdelay $0x3  }
0x94: {  	_ =	strace s2  }
0x95: {  	s2 =	sld [smem:$0x3FFD];
	_ =	sdelay $0x3  }
0x96: {  	_ =	strace s2  }
0x97: {  	_ =	strace $0x8FFFFFFF  }
0x98: {  	s18 =	sld [smem:$0x3FDB];
	_ =	sdelay $0x1  }
0x99: {  	s19 =	simm.s32 $_scs_section_size  }
0x9a: {  	s4 =	simm.s32 $_size__tile_overlayer_lowered;
	s5 =	simm.s32 $_tile_overlayer_lowered  }
0x9b: {  	s22 =	simm.s32 $0x1BFF;
	s21 =	sshll.u32 s5, $0x1;
	s2 =	sadd.s32 s19, s18  }
0x9c: {  	s6 =	simm.s32 $0x0;
	s20 =	sshll.u32 s4, $0x1;
	s4 =	sadd.s32 s21, s2  }
0x9d: {  	[timem:s6], [sflag:s22] =	dma.local [hbm:s4], s20  }
0x9e: {  	_ =	swait.ge [sflag:s22], s20  }
0x9f: {  	s3 =	ssub.s32 $0x0, s20;
	[sflag:s22] =	ssyncset.done $0x0  }
0xa0: {  	[sflag:s22] =	ssyncadd.s32 s3;
	_ =	sdelay $0x1  }
0xa1: {  	s23 =	simm.s32 $0x1B8B  }
0xa2: {  	_ =	swait.ge [sflag:s23], $0x1  }
0xa3: {  	[sflag:s23] =	ssyncset.done $0x0  }
0xa4: {  	s25 =	simm.s32 $0x1B8E;
	s24 =	sld [smem:$0x3FFE];
	[sflag:s23] =	ssyncadd.s32 $0xFFFFFFFF  }
0xa5: {  	s26 =	simm.s32 $execute0_lowered;
	[smem:$0x3FD2] =	sst s25  }
0xa6: {  	s4 =	sshll.u32 s26, $0x1;
	_ =	strace $0x80000046;
	[dreg:$0x1] =	wrdreg $0xFFFFFFFF  }
0xa7: {  	s28 =	simm.s32 $_size_execute0_lowered;
	s2 =	sadd.s32 s2, s4;
	[dreg:$0x0] =	wrdreg $0x0  }
0xa8: {  	s4 =	sshll.u32 s28, $0x1;
	[dreg:$0x2] =	wrdreg s2  }
0xa9: {  	[dreg:$0x3] =	wrdreg s4  }
0xaa: {  	[dreg:$0x4] =	wrdreg $0xC0  }
0xab: {  	_ =	task [dreg:s6], $0x5FFFF  }
0xac: {  	[dreg:$0x1] =	wrdreg $0xFFFFFFFF  }
0xad: {  	[dreg:$0x0] =	wrdreg $0x60  }
0xae: {  	[dreg:$0x2] =	wrdreg s24  }
0xaf: {  	[dreg:$0x3] =	wrdreg $0x90000  }
0xb0: {  	[dreg:$0x4] =	wrdreg $0x12C400  }
0xb1: {  	[dreg:$0x5] =	wrdreg $0x1D0C00  }
0xb2: {  	[dreg:$0x6] =	wrdreg $0x9  }
0xb3: {  	_ =	task.clear_ibuf [dreg:s6], $0x7FFFF;
	_ =	strace $0x90000046  }
0xb4: {  	s29 =	simm.s32 $0x9;
	_ =	strace $0x80000048  }
0xb5: {  	_ =	swait.ge [sflag:s29], $0x1  }
0xb6: {  	[sflag:s29] =	ssyncadd.s32 $0xFFFFFFFF  }
0xb7: {  	_ =	strace $0x90000048  }
0xb8: {  	_ =	sfence  }
0xb9: {  	s30 =	sld [smem:$0x0];
	_ =	sdelay $0x2  }
0xba: {  	s31 =	sshll.u32 s1, $0xD;
	s1 =	sshrl.u32 s1, $0x2  }
0xbb: {  	s3 =	sand.u32 $0x4000, s31;
	s1 =	sadd.s32 s1, s30  }
0xbc: {  	s0 =	sor.u32 s3, s0;
	s1 =	sshll.u32 s1, $0x11  }
0xbd: {  	s0 =	sor.u32 s1, s0  }
0xbe: {  	s0 =	sadd.s32 $0x8F2B, s0  }
0xbf: {  	[sflag:s0] =	ssyncadd.remote.s32 $0x1  }
0xc0: {  	_ =	sfence.sel $0xFFFF  }
0xc1: {  	[dreg:$0x0] =	wrdreg $0xFFFFFFFF;
	(pc) =	sbr.abs _section_cstart, $3  }
0xc2: {  	[dreg:$0x1] =	wrdreg $0xFFFFFFFF  }
0xc3: {  	_ =	task.clear_ibuf [dreg:s6], $0x2FFFF;
	_ =	strace $0x9FFFFFFF  }
0xc4: {  	(tm) =	ssettm $0x7FFFFFFF  }
0xc5: {  	_ =	shalt  }
tec
execute0_lowered:
.L_overlay_start_1:
0x0: {  	(tag) =	ssettag $0x1  }
0x1: {  	s0 =	rddreg [dreg:$0x0]  }
0x2: {  	s21 =	stileid.u32;
	s2 =	srdreg.scid  }
0x3: {  	s1 =	rddreg [dreg:$0x1];
	s5 =	smul.u32 $0x9C40, s21  }
0x4: {  	s3 =	rddreg [dreg:$0x2];
	s8 =	smul.u32 $0x9C80, s21  }
0x5: {  	s7 =	simm.s32 $0x0;
	s2 =	sand.u32 $0x1, s2;
	s9 =	smul.u32 $0x2720, s21  }
0x6: {  	s4 =	sshll.u32 s21, $0x1;
	[smem:$0x7FF] =	sst s7;
	s15 =	smul.u32 $0x272, s21  }
0x7: {  	s23 =	smul.u32 $0x14000, s21;
	s29 =	sshll.u32 s21, $0x6;
	s6 =	sor.u32 s2, s4  }
0x8: {  	s4 =	rddreg [dreg:$0x3];
	s16 =	smul.u32 $0x9C800, s2;
	_ =	strace $0x80000047  }
0x9: {  	s12 =	smul.u32 $0x27200, s2;
	s18 =	ssub.s32 $0x2, s2;
	s30 =	sor.u32 $0x1C01, s29  }
0xa: {  	s6 =	smul.u32 $0x50, s6;
	s10 =	sshrl.u32 s5, $0x3;
	s19 =	sshrl.u32 s18, $0x1  }
0xb: {  	s5 =	sadd.s32 s5, s1;
	s10 =	sadd.s32 s10, s0;
	s7 =	sadd.s32 s8, s16  }
0xc: {  	s12 =	sadd.s32 s9, s12;
	s16 =	smul.u32 $0xFFFFFFB0, s2;
	s28 =	sshrl.u32 s5, $0x3  }
0xd: {  	s5 =	simm.s32 $0x3;
	s11 =	smin.u32 s6, $0x974;
	s7 =	sshrl.u32 s7, $0x3  }
0xe: {  	s17 =	sshrl.u32 s12, $0x3;
	s12 =	ssub.s32 s18, s19;
	s20 =	sadd.s32 $0x15C00, s10  }
0xf: {  	s22 =	ssub.s32 $0x9C4, s6;
	s18 =	sadd.s32 $0x80, s15;
	s19 =	smul.u32 $0xA0, s21  }
0x10: {  	s10 =	sadd.s32 s8, s3;
	s13 =	sshll.u32 s11, $0x4;
	s14 =	sadd.s32 s7, s0  }
0x11: {  	[dreg:$0x5] =	wrdreg s20;
	s7 =	smin.u32 s22, $0x50;
	s20 =	smul.u32 $0x50, s2  }
0x12: {  	s6 =	ssub.s32 s6, s11;
	s26 =	sshll.u32 s18, $0x6;
	s2 =	smul.u32 $0xA000, s2  }
0x13: {  	s13 =	sadd.s32 s13, s0;
	s0 =	sadd.s32 s17, s0;
	s17 =	smul.u32 $0xFFFFFF60, s21  }
0x14: {  	s6 =	sshll.u32 s6, $0x9;
	s24 =	sadd.s32 $0x2200, s13;
	s25 =	sadd.s32 $0xBE40, s13  }
0x15: {  	s13 =	sadd.s32 s26, s3;
	s20 =	sadd.s32 s20, s19;
	[dreg:$0x6] =	wrdreg s24  }
0x16: {  	s2 =	sadd.s32 s2, s23;
	s0 =	sadd.s32 $0x29600, s0;
	[dreg:$0x7] =	wrdreg s25  }
0x17: {  	[dreg:$0x8] =	wrdreg s13;
	s8 =	sadd.s32 s17, s16;
	s13 =	sadd.s32 $0x100, s15  }
0x18: {  	s23 =	smin.u32 s20, $0x974;
	s24 =	sadd.s32 $0x180, s15;
	s25 =	sadd.s32 $0x200, s15  }
0x19: {  	[dreg:$0x11] =	wrdreg s0;
	s22 =	sshll.u32 s13, $0x6;
	s11 =	sshll.u32 s23, $0x9  }
0x1a: {  	s26 =	sshll.u32 s24, $0x6;
	s15 =	sshll.u32 s25, $0x6;
	s23 =	sshll.u32 s25, $0x4  }
0x1b: {  	s25 =	sadd.s32 $0x9C4, s8;
	s8 =	simm.s32 $0x1;
	s17 =	sadd.s32 s22, s3  }
0x1c: {  	s2 =	ssub.s32 s2, s11;
	s11 =	sadd.s32 s26, s3;
	[dreg:$0x9] =	wrdreg s17  }
0x1d: {  	s15 =	sadd.s32 s15, s3;
	s22 =	sshll.u32 s24, $0x4;
	[dreg:$0xa] =	wrdreg s11  }
0x1e: {  	s24 =	sadd.s32 $0x33400, s14;
	s0 =	smin.u32 s25, $0x50;
	[dreg:$0xb] =	wrdreg s15  }
0x1f: {  	s15 =	sadd.s32 s9, s4;
	s17 =	sshll.u32 s18, $0x4;
	s18 =	sshll.u32 s13, $0x4  }
0x20: {  	[dreg:$0x10] =	wrdreg s24;
	s26 =	sor.u32 $0x200, s2;
	s9 =	sadd.s32 s17, s4  }
0x21: {  	s2 =	sor.u32 $0x400, s2;
	s20 =	sadd.s32 s18, s4;
	[dreg:$0xc] =	wrdreg s9  }
0x22: {  	s11 =	simm.s32 $0x80;
	s25 =	sshra.s32 s2, $0x2;
	[dreg:$0xd] =	wrdreg s20  }
0x23: {  	s9 =	sadd.s32 s22, s4;
	s20 =	sshra.s32 s6, $0x2;
	s6 =	sshra.s32 s26, $0x2  }
0x24: {  	s26 =	sadd.s32 $0xFFFFFFFF, s0;
	s0 =	simm.s32 $0x5000;
	[dreg:$0xe] =	wrdreg s9  }
0x25: {  	s9 =	sadd.s32 s23, s4;
	s23 =	smax.u32 s12, $0x1;
	s18 =	sadd.s32 $0x2800, s6  }
0x26: {  	s31 =	sor.u32 $0x80, s20;
	s2 =	sadd.s32 $0x2800, s20;
	s6 =	simm.s32 $0x1C8C0  }
0x27: {  	v0 =	vimm.f32 $0.0e+00;
	v1 =	vimm.f32 $1.000000000e+00;
	s12 =	simm.s32 $0x0;
	[dreg:$0xf] =	wrdreg s9;
	s9 =	simm.s32 $0x2  }
.LBB2_1:
0x28: {  	s13 =	rddreg [dreg:$0x5]  }
0x29: {  	[spmem:s28], [sflag:s30] =	dma.local [hbm:s13], $0x1388  }
0x2a: {  	s22 =	simm.s32 $0x0;
	s16 =	simm.s32 $0x2800;
	s14 =	rddreg [dreg:$0x6]  }
0x2b: {  	[tilespmem:s22], [sflag:$0x2] =	stream.linear.gather [hbm4b:s14+s22], $0x2800, $0x38;
	[tilespmem:$0x1F7E0] =	vst v63  }
0x2c: {  	s13 =	simm.s32 $0x0;
	s24 =	rddreg [dreg:$0x7];
	s14 =	simm.s32 $0x100  }
0x2d: {  	[tilespmem:s16], [sflag:$0x2] =	stream.linear.gather [hbm4b:s24+s22], $0x2800, $0x38;
	[tilespmem:$0x1F7E0] =	vst v63  }
.LBB2_2:
0x2e: {  	p0 =	sne.s32 s14, $0x7F00;
	[tilespmem:s13+$0x5030] =	vst v0;
	s16 =	smov.u32 s14;
	s14 =	sadd.s32 $0x100, s14  }
.Ltmp0:
0x2f: {  	[tilespmem:s13+$0x5020] =	vst v0;
	(pc) =	sbr.rel @p0 .LBB2_2-.Ltmp0, $3  }
0x30: {  	[tilespmem:s13+$0x5000] =	vst v0  }
0x31: {  	[tilespmem:s13+$0x5010] =	vst v0;
	_ =	sdelay $0x1  }
0x32: {  	s13 =	sshra.s32 s16, $0x2  }
0x33: {  	[tilespmem:s13+$0x5030] =	vst v0  }
0x34: {  	[tilespmem:s13+$0x5020] =	vst v0  }
0x35: {  	[tilespmem:s13+$0x5000] =	vst v0  }
0x36: {  	[tilespmem:s13+$0x5010] =	vst v0  }
0x37: {  	[spmem:s10] =	stream.linear.scatter [tilespmem:s0], [sflag:$0x3], $0x2000, $0x38;
	[tilespmem:$0x1F7E0] =	vst v63  }
0x38: {  	_ =	swait.ge [sflag:s5], $0x2000  }
0x39: {  	[sflag:s5] =	ssyncset.done $0x0  }
0x3a: {  	s19 =	rddreg [dreg:$0x8];
	[sflag:s5] =	ssyncadd.s32 $0xFFFFE000  }
0x3b: {  	[spmem:s19] =	stream.linear.scatter [tilespmem:s0], [sflag:$0x3], $0x2000, $0x38;
	[tilespmem:$0x1F7E0] =	vst v63  }
0x3c: {  	_ =	swait.ge [sflag:s5], $0x2000  }
0x3d: {  	[sflag:s5] =	ssyncset.done $0x0  }
0x3e: {  	s21 =	rddreg [dreg:$0x9];
	[sflag:s5] =	ssyncadd.s32 $0xFFFFE000  }
0x3f: {  	[spmem:s21] =	stream.linear.scatter [tilespmem:s0], [sflag:$0x3], $0x2000, $0x38;
	[tilespmem:$0x1F7E0] =	vst v63  }
0x40: {  	_ =	swait.ge [sflag:s5], $0x2000  }
0x41: {  	[sflag:s5] =	ssyncset.done $0x0  }
0x42: {  	s22 =	rddreg [dreg:$0xa];
	[sflag:s5] =	ssyncadd.s32 $0xFFFFE000  }
0x43: {  	[spmem:s22] =	stream.linear.scatter [tilespmem:s0], [sflag:$0x3], $0x2000, $0x38;
	[tilespmem:$0x1F7E0] =	vst v63  }
0x44: {  	_ =	swait.ge [sflag:s5], $0x2000  }
0x45: {  	[sflag:s5] =	ssyncset.done $0x0  }
0x46: {  	s24 =	rddreg [dreg:$0xb];
	[sflag:s5] =	ssyncadd.s32 $0xFFFFE000  }
0x47: {  	[spmem:s24] =	stream.linear.scatter [tilespmem:s0], [sflag:$0x3], $0x1C80, $0x38;
	[tilespmem:$0x1F7E0] =	vst v63  }
0x48: {  	_ =	swait.ge [sflag:s5], $0x1C80  }
0x49: {  	[sflag:s5] =	ssyncset.done $0x0  }
0x4a: {  	s13 =	simm.s32 $0x40;
	s14 =	simm.s32 $0x0;
	[sflag:s5] =	ssyncadd.s32 $0xFFFFE380  }
.LBB2_4:
0x4b: {  	p0 =	sne.s32 s13, $0x1FC0;
	[tilespmem:s14+$0x1C8C0] =	vst v0;
	s14 =	smov.u32 s13;
	s13 =	sadd.s32 $0x40, s13  }
.Ltmp1:
0x4c: {  	(pc) =	sbr.rel @p0 .LBB2_4-.Ltmp1, $2  }
0x4d: {  	_ =	sdelay $0x2  }
0x4e: {  	s14 =	sshra.s32 s14, $0x2  }
0x4f: {  	[tilespmem:s14+$0x1C8C0] =	vst v0  }
0x50: {  	[spmem:s15] =	stream.linear.scatter [tilespmem:s6], [sflag:$0x3], $0x800, $0x38;
	[tilespmem:$0x1F7E0] =	vst v63  }
0x51: {  	_ =	swait.ge [sflag:s5], $0x800  }
0x52: {  	[sflag:s5] =	ssyncset.done $0x0  }
0x53: {  	s13 =	rddreg [dreg:$0xc];
	[sflag:s5] =	ssyncadd.s32 $0xFFFFF800  }
0x54: {  	[spmem:s13] =	stream.linear.scatter [tilespmem:s6], [sflag:$0x3], $0x800, $0x38;
	[tilespmem:$0x1F7E0] =	vst v63  }
0x55: {  	_ =	swait.ge [sflag:s5], $0x800  }
0x56: {  	[sflag:s5] =	ssyncset.done $0x0  }
0x57: {  	s21 =	rddreg [dreg:$0xd];
	[sflag:s5] =	ssyncadd.s32 $0xFFFFF800  }
0x58: {  	[spmem:s21] =	stream.linear.scatter [tilespmem:s6], [sflag:$0x3], $0x800, $0x38;
	[tilespmem:$0x1F7E0] =	vst v63  }
0x59: {  	_ =	swait.ge [sflag:s5], $0x800  }
0x5a: {  	[sflag:s5] =	ssyncset.done $0x0  }
0x5b: {  	s22 =	rddreg [dreg:$0xe];
	[sflag:s5] =	ssyncadd.s32 $0xFFFFF800  }
0x5c: {  	[spmem:s22] =	stream.linear.scatter [tilespmem:s6], [sflag:$0x3], $0x800, $0x38;
	[tilespmem:$0x1F7E0] =	vst v63  }
0x5d: {  	_ =	swait.ge [sflag:s5], $0x800  }
0x5e: {  	[sflag:s5] =	ssyncset.done $0x0  }
0x5f: {  	s24 =	rddreg [dreg:$0xf];
	[sflag:s5] =	ssyncadd.s32 $0xFFFFF800  }
0x60: {  	[spmem:s24] =	stream.linear.scatter [tilespmem:s6], [sflag:$0x3], $0x720, $0x38;
	[tilespmem:$0x1F7E0] =	vst v63  }
0x61: {  	_ =	swait.ge [sflag:s5], $0x720  }
0x62: {  	[sflag:s5] =	ssyncset.done $0x0  }
0x63: {  	s14 =	simm.s32 $0x0;
	s13 =	simm.s32 $0x40;
	[sflag:s5] =	ssyncadd.s32 $0xFFFFF8E0  }
.LBB2_6:
0x64: {  	p0 =	sne.s32 s13, $0x1FC0;
	[tilespmem:s14+$0x1C8C0] =	vst v1;
	s14 =	smov.u32 s13;
	s13 =	sadd.s32 $0x40, s13  }
.Ltmp2:
0x65: {  	(pc) =	sbr.rel @p0 .LBB2_6-.Ltmp2, $2  }
0x66: {  	_ =	sdelay $0x2  }
0x67: {  	s14 =	sshra.s32 s14, $0x2  }
0x68: {  	[tilespmem:s14+$0x1C8C0] =	vst v1  }
0x69: {  	_ =	swait.ge [sflag:s8], $0x1388  }
0x6a: {  	[sflag:s8] =	ssyncset.done $0x0  }
0x6b: {  	[sflag:s8] =	ssyncadd.s32 $0xFFFFEC78  }
0x6c: {  	_ =	swait.ge [sflag:s9], $0x2800  }
0x6d: {  	[sflag:s9] =	ssyncset.done $0x0  }
0x6e: {  	[sflag:s9] =	ssyncadd.s32 $0xFFFFD800  }
0x6f: {  	_ =	swait.ge [sflag:s9], $0x2800  }
0x70: {  	[sflag:s9] =	ssyncset.done $0x0  }
0x71: {  	[sflag:s9] =	ssyncadd.s32 $0xFFFFD800  }
0x72: {  	[bflag:$0x0] =	sbarrier.arrive $0xFFFF  }
0x73: {  	[tilespmem:s0], [sflag:$0x1] =	stream.indirect.gather [spmem:s1], $0x40, s20, s11, $0xb8;
	[tilespmem:$0x1F7E0] =	vst v63  }
0x74: {  	_ =	swait.ge [sflag:s8], $0x2000  }
0x75: {  	[sflag:s8] =	ssyncset.done $0x0  }
0x76: {  	s13 =	simm.s32 $0x7000;
	[sflag:s8] =	ssyncadd.s32 $0xFFFFE000  }
0x77: {  	[tilespmem:s13], [sflag:$0x1] =	stream.indirect.gather [spmem:s1], $0x40, s31, s11, $0xb8;
	[tilespmem:$0x1F7E0] =	vst v63  }
0x78: {  	_ = 	snop  }
0x79: {  	[spmem:s3] =	stream.indirect.scatter.add.f32 [tilespmem:s0], [sflag:$0x2], $0x40, s2, s11, $0xb8;
	[tilespmem:$0x1F7E0] =	vst v63  }
0x7a: {  	_ = 	snop  }
0x7b: {  	[spmem:s4] =	stream.indirect.scatter.add.f32 [tilespmem:s6], [sflag:$0x2], $0x10, s2, s11, $0xb8;
	[tilespmem:$0x1F7E0] =	vst v63  }
0x7c: {  	_ =	swait.ge [sflag:s8], $0x2000  }
0x7d: {  	[sflag:s8] =	ssyncset.done $0x0  }
0x7e: {  	[sflag:s8] =	ssyncadd.s32 $0xFFFFE000  }
0x7f: {  	_ =	swait.ge [sflag:s9], $0x2000  }
0x80: {  	[sflag:s9] =	ssyncset.done $0x0  }
0x81: {  	[sflag:s9] =	ssyncadd.s32 $0xFFFFE000  }
0x82: {  	p0 =	sle.u32 s7, $0x2;
	s13 =	simm.s32 $0x4000;
	_ =	swait.ge [sflag:s9], $0x800  }
0x83: {  	s13 =	sand.u32 @!p0 $0x2000, s13;
	[sflag:s9] =	ssyncset.done $0x0  }
0x84: {  	s16 =	simm.s32 @!p0 $0x80;
	s13 =	sor.u32 @!p0 $0x5000, s13;
	[sflag:s9] =	ssyncadd.s32 $0xFFFFF800  }
0x85: {  	[tilespmem:s13], [sflag:$0x1] =	stream.indirect.gather @!p0 [spmem:s1], $0x40, s25, s16, $0xb8;
	[tilespmem:$0x1F7E0] =	vst v63  }
0x86: {  	p0 =	sne.s32 s26, $0x1  }
.Ltmp3:
0x87: {  	s22 =	simm.s32 $0x2000;
	(pc) =	sbr.rel @!p0 .LBB2_9-.Ltmp3, $4  }
0x88: {  	s14 =	sand.u32 $0x2000, s22  }
0x89: {  	s17 =	simm.s32 $0x6000;
	s24 =	sor.u32 $0x5000, s14;
	s14 =	sadd.s32 $0x80, s18  }
0x8a: {  	[spmem:s3] =	stream.indirect.scatter.add.f32 [tilespmem:s24], [sflag:$0x2], $0x40, s18, s11, $0xb8;
	[tilespmem:$0x1F7E0] =	vst v63  }
0x8b: {  	s13 =	simm.s32 $0x1;
	s16 =	sadd.s32 $0x80, s25;
	s24 =	smov.u32 s18  }
.LBB2_8:
0x8c: {  	[spmem:s4] =	stream.indirect.scatter.add.f32 [tilespmem:s6], [sflag:$0x2], $0x10, s24, s11, $0xb8;
	[tilespmem:$0x1F7E0] =	vst v63  }
0x8d: {  	s19 =	smov.u32 s13;
	s13 =	sadd.s32 $0x1, s13;
	s24 =	smov.u32 s14  }
0x8e: {  	p0 =	sne.s32 s26, s13;
	_ =	swait.ge [sflag:s8], $0x2000  }
0x8f: {  	[sflag:s8] =	ssyncset.done $0x0  }
0x90: {  	[sflag:s8] =	ssyncadd.s32 $0xFFFFE000  }
0x91: {  	_ =	swait.ge [sflag:s9], $0x2000  }
0x92: {  	[sflag:s9] =	ssyncset.done $0x0  }
0x93: {  	s21 =	sadd.s32 $0xFFFFE000, s17;
	s19 =	sadd.s32 $0x2, s19;
	[sflag:s9] =	ssyncadd.s32 $0xFFFFE000  }
0x94: {  	s21 =	sand.u32 $0x2000, s21;
	p1 =	sge.u32 s19, s7;
	_ =	swait.ge [sflag:s9], $0x800  }
0x95: {  	s19 =	sand.u32 @!p1 $0x2000, s17;
	s22 =	simm.s32 @!p1 $0x80;
	[sflag:s9] =	ssyncset.done $0x0  }
.Ltmp4:
0x96: {  	s19 =	sor.u32 @!p1 $0x5000, s19;
	[sflag:s9] =	ssyncadd.s32 $0xFFFFF800;
	(pc) =	sbr.rel @p0 .LBB2_8-.Ltmp4, $4  }
0x97: {  	[tilespmem:s19], [sflag:$0x1] =	stream.indirect.gather @!p1 [spmem:s1], $0x40, s16, s22, $0xb8;
	[tilespmem:$0x1F7E0] =	vst v63  }
0x98: {  	s19 =	sor.u32 $0x5000, s21  }
0x99: {  	[spmem:s3] =	stream.indirect.scatter.add.f32 [tilespmem:s19], [sflag:$0x2], $0x40, s14, s11, $0xb8;
	[tilespmem:$0x1F7E0] =	vst v63  }
0x9a: {  	s17 =	sadd.s32 $0x2000, s17;
	s16 =	sadd.s32 $0x80, s16;
	s14 =	sadd.s32 $0x80, s14  }
.LBB2_9:
0x9b: {  	[spmem:s4] =	stream.indirect.scatter.add.f32 [tilespmem:s6], [sflag:$0x2], $0x10, s24, s11, $0xb8;
	[tilespmem:$0x1F7E0] =	vst v63  }
0x9c: {  	_ =	swait.ge [sflag:s9], $0x2000  }
0x9d: {  	[sflag:s9] =	ssyncset.done $0x0  }
0x9e: {  	[sflag:s9] =	ssyncadd.s32 $0xFFFFE000  }
0x9f: {  	_ =	swait.ge [sflag:s9], $0x800  }
0xa0: {  	[sflag:s9] =	ssyncset.done $0x0  }
0xa1: {  	[sflag:s9] =	ssyncadd.s32 $0xFFFFF800  }
0xa2: {  	[bflag:$0x0] =	sbarrier.arrive $0xFFFF  }
0xa3: {  	s13 =	sshrl.u32 s10, $0x3;
	s22 =	sor.u32 $0x1C02, s29;
	s14 =	rddreg [dreg:$0x10]  }
0xa4: {  	[hbm:s14], [sflag:s30] =	dma.local [spmem:s13], $0x1390  }
0xa5: {  	s24 =	sshrl.u32 s15, $0x3;
	s12 =	sadd.s32 $0x1, s12;
	s16 =	rddreg [dreg:$0x11]  }
0xa6: {  	[hbm:s16], [sflag:s22] =	dma.local [spmem:s24], $0x4E4  }
0xa7: {  	p0 =	sne.s32 s12, s23;
	_ =	swait.ge [sflag:s8], $0x1390  }
.Ltmp5:
0xa8: {  	[sflag:s8] =	ssyncset.done $0x0;
	(pc) =	sbr.rel @p0 .LBB2_1-.Ltmp5, $4  }
0xa9: {  	[sflag:s8] =	ssyncadd.s32 $0xFFFFEC70  }
0xaa: {  	_ =	swait.ge [sflag:s9], $0x4E4  }
0xab: {  	[sflag:s9] =	ssyncset.done $0x0  }
0xac: {  	[sflag:s9] =	ssyncadd.s32 $0xFFFFFB1C  }
0xad: {  	_ =	sfence.sel $0x180000  }
0xae: {  	[bflag:$0x0] =	sbarrier.arrive $0xFFFF  }
0xaf: {  	_ =	strace $0x90000047  }
0xb0: {  	s0 =	stileid.u32;
	[bflag:$0x2] =	sbarrier.arrive $0xFFFF  }
0xb1: {  	p0 =	sne.s32 s0, $0x0;
	s0 =	rddreg [dreg:$0x4]  }
0xb2: {  	s0 =	sadd.s32 @!p0 $0x100000, s0  }
0xb3: {  	[sflag:s0] =	ssyncadd.tile.s32 @!p0 $0x1;
	_ =	shalt  }
.Lfunc_end2:
_tile_overlayer_lowered:
.L_overlay_start_2:
0xb4: {  	(tag) =	ssettag $0x2  }
0xb5: {  	s0 =	rddreg [dreg:$0x0];
	s2 =	stileid.u32  }
0xb6: {  	s1 =	rddreg [dreg:$0x1];
	p0 =	sne.s32 s2, $0x0  }
0xb7: {  	s3 =	rddreg [dreg:$0x2];
	[bflag:$0x3] =	sbarrier.arrive $0xFFFF;
	s2 =	simm.s32 @!p0 $0x1C03  }
0xb8: {  	[timem:s3], [sflag:s2] =	dma.local @!p0 [hbm:s0], s1  }
0xb9: {  	s0 =	simm.s32 @!p0 $0x3  }
0xba: {  	_ =	swait.ge @!p0 [sflag:s0], s1  }
0xbb: {  	s1 =	ssub.s32 @!p0 $0x0, s1;
	[sflag:s0] =	ssyncset.done @!p0 $0x0  }
0xbc: {  	[sflag:s0] =	ssyncadd.s32 @!p0 s1  }
0xbd: {  	[bflag:$0x3] =	sbarrier.arrive $0xFFFF  }
0xbe: {  	_ =	shalt  }

</sc_bundles>
